<compile_context>
chip_gen: v7x
topology: tpu7x:2x2x1
jax: 0.10.2.dev20260603
libtpu: 0.0.44.dev20260713+nightly
codegen_flags: <defaults>
</compile_context>

<pallas_src>
import functools

import jax
import jax.numpy as jnp
from jax import lax
from jax.experimental import pallas as pl
from jax.experimental.pallas import tpu as pltpu
from jax.experimental.pallas import tpu_sc as plsc

B, T, V = 1024, 50, 1000
N = B * T
NC, NS, L = 2, 16, 16
NW = NC * NS
PER = N // NW
CHUNK = 80
NCHUNK = PER // CHUNK
WAVE = NCHUNK // 2
TH = T // 2
BLK = 128
CPW = B // NW

_mesh = plsc.VectorSubcoreMesh(core_axis_name="c", subcore_axis_name="s")


@functools.partial(
    pl.kernel,
    out_type=jax.ShapeDtypeStruct((NW, L), jnp.float32),
    mesh=_mesh,
    scratch_types=[
        pltpu.VMEM((T, BLK), jnp.int32),
        pltpu.VMEM((T, BLK), jnp.float32),
        pltpu.VMEM((PER,), jnp.int32),
        pltpu.VMEM((PER,), jnp.float32),
        pltpu.VMEM((L,), jnp.float32),
        pltpu.SemaphoreType.DMA,
        pltpu.SemaphoreType.DMA,
    ],
)
def _sc_gather(flat_hbm, tgt_hbm, mask_hbm, prod_out,
               tgt_v, mask_v, idx_v, vals_v, acc_v, sem_a, sem_b):
    wid = lax.axis_index("s") * NC + lax.axis_index("c")
    blk = wid // 4
    col0 = pl.multiple_of((wid % 4) * CPW, 8)

    bcol = pl.multiple_of(blk * BLK, BLK)
    pltpu.sync_copy(tgt_hbm.at[:, pl.ds(bcol, BLK)], tgt_v)
    pltpu.sync_copy(mask_hbm.at[:, pl.ds(bcol, BLK)], mask_v)

    lane = lax.iota(jnp.int32, L)

    def _compute_idx(tlo, thi):
        @pl.loop(tlo, thi)
        def _(j):
            for s in range(2):
                c = pl.multiple_of(col0 + s * L, 8)
                t16 = tgt_v[j, pl.ds(c, L)]
                idx16 = (j * (V * B) + (t16 >> 3) * 8192 + blk * 1024
                         + (t16 & 7) * BLK + c + lane)
                idx_v[pl.ds(pl.multiple_of(j * 2 * L, 8) + s * L, L)] = idx16

    def _chunk_copy(c, sem):
        sl = pl.ds(pl.multiple_of(c * CHUNK, 8), CHUNK)
        return pltpu.make_async_copy(
            flat_hbm.at[idx_v.at[sl]], vals_v.at[sl], sem)

    def _acc_wave(lo, hi, init):
        def body(j, acc):
            t = j // 2
            s = lax.rem(j, 2)
            c = pl.multiple_of(col0 + s * L, 8)
            m = mask_v[t, pl.ds(c, L)]
            v = vals_v[pl.ds(pl.multiple_of(j * L, 8), L)]
            return acc + v * m
        return lax.fori_loop(lo, hi, body, init)

    _compute_idx(0, TH)

    @pl.loop(0, WAVE)
    def _(c):
        _chunk_copy(c, sem_a).start()

    _compute_idx(TH, T)

    @pl.loop(WAVE, NCHUNK)
    def _(c):
        _chunk_copy(c, sem_b).start()

    @pl.loop(0, WAVE)
    def _(c):
        _chunk_copy(c, sem_a).wait()

    acc = _acc_wave(0, T, jnp.zeros((L,), jnp.float32))

    @pl.loop(WAVE, NCHUNK)
    def _(c):
        _chunk_copy(c, sem_b).wait()

    acc = _acc_wave(T, 2 * T, acc)

    acc_v[...] = acc
    pltpu.sync_copy(acc_v, prod_out.at[wid])


def _finish_body(p_ref, m_ref, o_ref):
    s = -jnp.sum(p_ref[...]) / jnp.sum(m_ref[...])
    o_ref[...] = jnp.full((1, 1), s, jnp.float32)


_finish = pl.pallas_call(
    _finish_body,
    out_shape=jax.ShapeDtypeStruct((1, 1), jnp.float32),
)


def kernel(input, target, mask):
    x1 = (input.transpose(1, 2, 0)
          .reshape(T, V // 8, 8, B // 128, 128)
          .transpose(0, 1, 3, 2, 4)
          .reshape(-1))
    mT = mask.T
    prod_p = _sc_gather(x1, target.T, mT)
    return _finish(prod_p, mT)[0, 0]

# --- scband reference (transcript-rebuilt; emitter-appended) ---
"""Pipeline reference for scband-identification-loss-506806140968 (READ-ONLY COPY).

The authoritative reference and input builder live on the scoring server;
editing this copy changes nothing except your own understanding.
"""

import jax, jax.numpy as jnp
import numpy as np

B, T, V = 1024, 50, 1000

def setup_inputs(seed: int = 0) -> dict:
    key = jax.random.key(seed)
    k1, k2, k3 = jax.random.split(key, 3)
    inp = jax.random.normal(k1, (B, T, V), dtype=jnp.float32)
    target = jax.random.randint(k2, (B, T), 0, V, dtype=jnp.int32)
    mask = jax.random.uniform(k3, (B, T), dtype=jnp.float32)
    return {"input": inp, "target": target, "mask": mask}

def reference(input, target, mask):
    # output = -input.gather(2, target.unsqueeze(2)).squeeze(2) * mask
    gathered = jnp.take_along_axis(input, target[..., None].astype(jnp.int32), axis=2)[..., 0]
    output = -gathered * mask
    # output = sum(output) / sum(mask)
    return jnp.sum(output) / jnp.sum(mask)

if __name__ == "__main__":
    import jax
    _d = setup_inputs()
    print(jax.jit(kernel)(*tuple(_d.values())))

</pallas_src>

<mosaic_0001>
#map = affine_map<(d0, d1) -> (0)>
#map1 = affine_map<(d0, d1) -> (0, 0)>
module attributes {stable_mosaic.version = 14 : i64} {
  func.func @_sc_gather(%arg0: i32, %arg1: i32, %arg2: memref<51200000xf32, #tpu.memory_space<hbm>>, %arg3: memref<50x1024xi32, #tpu.memory_space<hbm>>, %arg4: memref<50x1024xf32, #tpu.memory_space<hbm>>, %arg5: memref<32x16xf32, #tpu.memory_space<hbm>>, %arg6: memref<50x128xi32, #tpu.memory_space<vmem>>, %arg7: memref<50x128xf32, #tpu.memory_space<vmem>>, %arg8: memref<1600xi32, #tpu.memory_space<vmem>>, %arg9: memref<1600xf32, #tpu.memory_space<vmem>>, %arg10: memref<16xf32, #tpu.memory_space<vmem>>, %arg11: memref<!tpu.dma_semaphore, #tpu.memory_space<semaphore_mem>>, %arg12: memref<!tpu.dma_semaphore, #tpu.memory_space<semaphore_mem>>) attributes {dimension_semantics = [#tpu.dimension_semantics<core_parallel>, #tpu.dimension_semantics<subcore_parallel>], iteration_bounds = array<i64: 2, 16>, scalar_prefetch = 0 : i64, scratch_operands = 7 : i64, tpu.core_type = #tpu.core_type<sc_vector_subcore>, window_params = [{transform_indices = #map}, {transform_indices = #map1}, {transform_indices = #map1}, {transform_indices = #map1}]} {
    %mul3A = arith.constant 2 : i32
    %mul3A_0 = arith.muli %arg1, %mul3A : i32
    %add3A = arith.addi %mul3A_0, %arg0 : i32
    %jit3A = arith.constant 4 : i32
    %div3A = arith.divsi %add3A, %jit3A : i32
    %sign3A = arith.constant 0 : i32
    %sign3A_1 = arith.cmpi sgt, %add3A, %sign3A : i32
    %sign3A_2 = arith.extui %sign3A_1 : i1 to i32
    %sign3A_3 = arith.constant 0 : i32
    %sign3A_4 = arith.cmpi slt, %add3A, %sign3A_3 : i32
    %sign3A_5 = arith.extui %sign3A_4 : i1 to i32
    %sign3A_6 = arith.subi %sign3A_2, %sign3A_5 : i32
    %sign3A_7 = arith.constant 0 : i32
    %sign3A_8 = arith.cmpi sgt, %jit3A, %sign3A_7 : i32
    %sign3A_9 = arith.extui %sign3A_8 : i1 to i32
    %sign3A_10 = arith.constant 0 : i32
    %sign3A_11 = arith.cmpi slt, %jit3A, %sign3A_10 : i32
    %sign3A_12 = arith.extui %sign3A_11 : i1 to i32
    %sign3A_13 = arith.subi %sign3A_9, %sign3A_12 : i32
    %ne3A = arith.cmpi ne, %sign3A_6, %sign3A_13 : i32
    %rem3A = arith.remsi %add3A, %jit3A : i32
    %ne3A_14 = arith.constant 0 : i32
    %ne3A_15 = arith.cmpi ne, %rem3A, %ne3A_14 : i32
    %and3A = arith.andi %ne3A, %ne3A_15 : i1
    %sub3A = arith.constant 1 : i32
    %sub3A_16 = arith.subi %div3A, %sub3A : i32
    %select_n3A = arith.select %and3A, %sub3A_16, %div3A : i32
    %jit3A_17 = arith.constant 4 : i32
    %eq3A = arith.constant 0 : i32
    %eq3A_18 = arith.cmpi eq, %jit3A_17, %eq3A : i32
    %jit3A_19 = arith.constant 1 : i32
    %select_n3A_20 = arith.select %eq3A_18, %jit3A_19, %jit3A_17 : i32
    %rem3A_21 = arith.remsi %add3A, %select_n3A_20 : i32
    %ne3A_22 = arith.constant 0 : i32
    %ne3A_23 = arith.cmpi ne, %rem3A_21, %ne3A_22 : i32
    %lt3A = arith.constant 0 : i32
    %lt3A_24 = arith.cmpi slt, %rem3A_21, %lt3A : i32
    %lt3A_25 = arith.constant 0 : i32
    %lt3A_26 = arith.cmpi slt, %select_n3A_20, %lt3A_25 : i32
    %ne3A_27 = arith.xori %lt3A_24, %lt3A_26 : i1
    %and3A_28 = arith.andi %ne3A_27, %ne3A_23 : i1
    %add3A_29 = arith.addi %rem3A_21, %select_n3A_20 : i32
    %select_n3A_30 = arith.select %and3A_28, %add3A_29, %rem3A_21 : i32
    %mul3A_31 = arith.constant 32 : i32
    %mul3A_32 = arith.muli %select_n3A_30, %mul3A_31 : i32
    %multiple_of3A = tpu.assume_multiple %mul3A_32, 8 : i32
    %mul3A_33 = arith.constant 128 : i32
    %mul3A_34 = arith.muli %select_n3A, %mul3A_33 : i32
    %multiple_of3A_35 = tpu.assume_multiple %mul3A_34, 128 : i32
    "tpu.region"() ({
      %run_scoped3A = tpu.sem_alloc : memref<!tpu.dma_semaphore, #tpu.memory_space<semaphore_mem>>
      %dma_start3A = arith.constant 0 : i32
      %dma_start3A_81 = tpu.memref_slice %arg3[%dma_start3A, %multiple_of3A_35] : memref<50x1024xi32, #tpu.memory_space<hbm>> -> memref<50x128xi32, #tpu.memory_space<hbm>>
      %dma_start3A_82 = arith.constant 0 : i32
      %dma_start3A_83 = tpu.memref_slice %arg3[%dma_start3A_82, %multiple_of3A_35] : memref<50x1024xi32, #tpu.memory_space<hbm>> -> memref<50x128xi32, #tpu.memory_space<hbm>>
      tpu.enqueue_dma source(%dma_start3A_83 : memref<50x128xi32, #tpu.memory_space<hbm>>) target(%arg6 : memref<50x128xi32, #tpu.memory_space<vmem>>) target_semaphore(%run_scoped3A : memref<!tpu.dma_semaphore, #tpu.memory_space<semaphore_mem>>)
      %dma_wait3A = arith.constant 0 : i32
      %dma_wait3A_84 = tpu.memref_slice %arg3[%dma_wait3A, %multiple_of3A_35] : memref<50x1024xi32, #tpu.memory_space<hbm>> -> memref<50x128xi32, #tpu.memory_space<hbm>>
      %dma_wait3A_85 = arith.constant 0 : i32
      %dma_wait3A_86 = tpu.memref_slice %arg3[%dma_wait3A_85, %multiple_of3A_35] : memref<50x1024xi32, #tpu.memory_space<hbm>> -> memref<50x128xi32, #tpu.memory_space<hbm>>
      tpu.wait_dma2 semaphore(%run_scoped3A : memref<!tpu.dma_semaphore, #tpu.memory_space<semaphore_mem>>) src(%dma_wait3A_86 : memref<50x128xi32, #tpu.memory_space<hbm>>) dst(%arg6 : memref<50x128xi32, #tpu.memory_space<vmem>>)
      tpu.yield
    }) : () -> ()
    "tpu.region"() ({
      %run_scoped3A = tpu.sem_alloc : memref<!tpu.dma_semaphore, #tpu.memory_space<semaphore_mem>>
      %dma_start3A = arith.constant 0 : i32
      %dma_start3A_81 = tpu.memref_slice %arg4[%dma_start3A, %multiple_of3A_35] : memref<50x1024xf32, #tpu.memory_space<hbm>> -> memref<50x128xf32, #tpu.memory_space<hbm>>
      %dma_start3A_82 = arith.constant 0 : i32
      %dma_start3A_83 = tpu.memref_slice %arg4[%dma_start3A_82, %multiple_of3A_35] : memref<50x1024xf32, #tpu.memory_space<hbm>> -> memref<50x128xf32, #tpu.memory_space<hbm>>
      tpu.enqueue_dma source(%dma_start3A_83 : memref<50x128xf32, #tpu.memory_space<hbm>>) target(%arg7 : memref<50x128xf32, #tpu.memory_space<vmem>>) target_semaphore(%run_scoped3A : memref<!tpu.dma_semaphore, #tpu.memory_space<semaphore_mem>>)
      %dma_wait3A = arith.constant 0 : i32
      %dma_wait3A_84 = tpu.memref_slice %arg4[%dma_wait3A, %multiple_of3A_35] : memref<50x1024xf32, #tpu.memory_space<hbm>> -> memref<50x128xf32, #tpu.memory_space<hbm>>
      %dma_wait3A_85 = arith.constant 0 : i32
      %dma_wait3A_86 = tpu.memref_slice %arg4[%dma_wait3A_85, %multiple_of3A_35] : memref<50x1024xf32, #tpu.memory_space<hbm>> -> memref<50x128xf32, #tpu.memory_space<hbm>>
      tpu.wait_dma2 semaphore(%run_scoped3A : memref<!tpu.dma_semaphore, #tpu.memory_space<semaphore_mem>>) src(%dma_wait3A_86 : memref<50x128xf32, #tpu.memory_space<hbm>>) dst(%arg7 : memref<50x128xf32, #tpu.memory_space<vmem>>)
      tpu.yield
    }) : () -> ()
    %iota3A = tpu.iota {dimensions = array<i32: 0>} : vector<16xi32>
    %scan3A = arith.constant 0 : i32
    %scan3A_36 = arith.constant 25 : i32
    %scan3A_37 = arith.addi %scan3A, %scan3A_36 : i32
    %scan3A_38 = arith.constant 1 : i32
    scf.for %scan3A_81 = %scan3A to %scan3A_37 step %scan3A_38  : i32 {
      %mul3A_82 = arith.constant 1 : i32
      %mul3A_83 = arith.muli %scan3A_81, %mul3A_82 : i32
      %add3A_84 = arith.constant 0 : i32
      %add3A_85 = arith.addi %add3A_84, %mul3A_83 : i32
      %add3A_86 = arith.constant 0 : i32
      %add3A_87 = arith.addi %multiple_of3A, %add3A_86 : i32
      %multiple_of3A_88 = tpu.assume_multiple %add3A_87, 8 : i32
      %get3A = arith.index_cast %add3A_85 : i32 to index
      %get3A_89 = arith.index_cast %multiple_of3A_88 : i32 to index
      %get3A_90 = tpu.vector_load %arg6[%get3A, %get3A_89] {strides = array<i32>} : memref<50x128xi32, #tpu.memory_space<vmem>>, vector<1x16xi32>,
      %get3A_91 = vector.shape_cast %get3A_90 : vector<1x16xi32> to vector<16xi32>
      %mul3A_92 = arith.constant 1024000 : i32
      %mul3A_93 = arith.muli %add3A_85, %mul3A_92 : i32
      %shift_right_arithmetic3A = arith.constant 3 : i32
      %shift_right_arithmetic3A_94 = vector.broadcast %shift_right_arithmetic3A : i32 to vector<16xi32>
      %shift_right_arithmetic3A_95 = arith.shrsi %get3A_91, %shift_right_arithmetic3A_94 : vector<16xi32>
      %mul3A_96 = arith.constant 8192 : i32
      %mul3A_97 = vector.broadcast %mul3A_96 : i32 to vector<16xi32>
      %mul3A_98 = arith.muli %shift_right_arithmetic3A_95, %mul3A_97 : vector<16xi32>
      %add3A_99 = vector.broadcast %mul3A_93 : i32 to vector<16xi32>
      %add3A_100 = arith.addi %add3A_99, %mul3A_98 : vector<16xi32>
      %mul3A_101 = arith.constant 1024 : i32
      %mul3A_102 = arith.muli %select_n3A, %mul3A_101 : i32
      %add3A_103 = vector.broadcast %mul3A_102 : i32 to vector<16xi32>
      %add3A_104 = arith.addi %add3A_100, %add3A_103 : vector<16xi32>
      %and3A_105 = arith.constant 7 : i32
      %and3A_106 = vector.broadcast %and3A_105 : i32 to vector<16xi32>
      %and3A_107 = arith.andi %get3A_91, %and3A_106 : vector<16xi32>
      %mul3A_108 = arith.constant 128 : i32
      %mul3A_109 = vector.broadcast %mul3A_108 : i32 to vector<16xi32>
      %mul3A_110 = arith.muli %and3A_107, %mul3A_109 : vector<16xi32>
      %add3A_111 = arith.addi %add3A_104, %mul3A_110 : vector<16xi32>
      %add3A_112 = vector.broadcast %multiple_of3A_88 : i32 to vector<16xi32>
      %add3A_113 = arith.addi %add3A_111, %add3A_112 : vector<16xi32>
      %add3A_114 = arith.addi %add3A_113, %iota3A : vector<16xi32>
      %mul3A_115 = arith.constant 2 : i32
      %mul3A_116 = arith.muli %add3A_85, %mul3A_115 : i32
      %mul3A_117 = arith.constant 16 : i32
      %mul3A_118 = arith.muli %mul3A_116, %mul3A_117 : i32
      %multiple_of3A_119 = tpu.assume_multiple %mul3A_118, 8 : i32
      %add3A_120 = arith.constant 0 : i32
      %add3A_121 = arith.addi %multiple_of3A_119, %add3A_120 : i32
      %swap3A_122 = arith.index_cast %add3A_121 : i32 to index
      %swap3A_123 = tpu.vector_load %arg8[%swap3A_122] {strides = array<i32>} : memref<1600xi32, #tpu.memory_space<vmem>>, vector<16xi32>,
      %swap3A_124 = vector.shape_cast %swap3A_123 : vector<16xi32> to vector<16xi32>
      %swap3A_125 = vector.shape_cast %add3A_114 : vector<16xi32> to vector<16xi32>
      tpu.vector_store %arg8[%swap3A_122], %swap3A_125 {strides = array<i32>} : memref<1600xi32, #tpu.memory_space<vmem>>, vector<16xi32>,
      %add3A_126 = arith.constant 16 : i32
      %add3A_127 = arith.addi %multiple_of3A, %add3A_126 : i32
      %multiple_of3A_128 = tpu.assume_multiple %add3A_127, 8 : i32
      %get3A_129 = arith.index_cast %add3A_85 : i32 to index
      %get3A_130 = arith.index_cast %multiple_of3A_128 : i32 to index
      %get3A_131 = tpu.vector_load %arg6[%get3A_129, %get3A_130] {strides = array<i32>} : memref<50x128xi32, #tpu.memory_space<vmem>>, vector<1x16xi32>,
      %get3A_132 = vector.shape_cast %get3A_131 : vector<1x16xi32> to vector<16xi32>
      %mul3A_133 = arith.constant 1024000 : i32
      %mul3A_134 = arith.muli %add3A_85, %mul3A_133 : i32
      %shift_right_arithmetic3A_135 = arith.constant 3 : i32
      %shift_right_arithmetic3A_136 = vector.broadcast %shift_right_arithmetic3A_135 : i32 to vector<16xi32>
      %shift_right_arithmetic3A_137 = arith.shrsi %get3A_132, %shift_right_arithmetic3A_136 : vector<16xi32>
      %mul3A_138 = arith.constant 8192 : i32
      %mul3A_139 = vector.broadcast %mul3A_138 : i32 to vector<16xi32>
      %mul3A_140 = arith.muli %shift_right_arithmetic3A_137, %mul3A_139 : vector<16xi32>
      %add3A_141 = vector.broadcast %mul3A_134 : i32 to vector<16xi32>
      %add3A_142 = arith.addi %add3A_141, %mul3A_140 : vector<16xi32>
      %mul3A_143 = arith.constant 1024 : i32
      %mul3A_144 = arith.muli %select_n3A, %mul3A_143 : i32
      %add3A_145 = vector.broadcast %mul3A_144 : i32 to vector<16xi32>
      %add3A_146 = arith.addi %add3A_142, %add3A_145 : vector<16xi32>
      %and3A_147 = arith.constant 7 : i32
      %and3A_148 = vector.broadcast %and3A_147 : i32 to vector<16xi32>
      %and3A_149 = arith.andi %get3A_132, %and3A_148 : vector<16xi32>
      %mul3A_150 = arith.constant 128 : i32
      %mul3A_151 = vector.broadcast %mul3A_150 : i32 to vector<16xi32>
      %mul3A_152 = arith.muli %and3A_149, %mul3A_151 : vector<16xi32>
      %add3A_153 = arith.addi %add3A_146, %mul3A_152 : vector<16xi32>
      %add3A_154 = vector.broadcast %multiple_of3A_128 : i32 to vector<16xi32>
      %add3A_155 = arith.addi %add3A_153, %add3A_154 : vector<16xi32>
      %add3A_156 = arith.addi %add3A_155, %iota3A : vector<16xi32>
      %mul3A_157 = arith.constant 2 : i32
      %mul3A_158 = arith.muli %add3A_85, %mul3A_157 : i32
      %mul3A_159 = arith.constant 16 : i32
      %mul3A_160 = arith.muli %mul3A_158, %mul3A_159 : i32
      %multiple_of3A_161 = tpu.assume_multiple %mul3A_160, 8 : i32
      %add3A_162 = arith.constant 16 : i32
      %add3A_163 = arith.addi %multiple_of3A_161, %add3A_162 : i32
      %swap3A_164 = arith.index_cast %add3A_163 : i32 to index
      %swap3A_165 = tpu.vector_load %arg8[%swap3A_164] {strides = array<i32>} : memref<1600xi32, #tpu.memory_space<vmem>>, vector<16xi32>,
      %swap3A_166 = vector.shape_cast %swap3A_165 : vector<16xi32> to vector<16xi32>
      %swap3A_167 = vector.shape_cast %add3A_156 : vector<16xi32> to vector<16xi32>
      tpu.vector_store %arg8[%swap3A_164], %swap3A_167 {strides = array<i32>} : memref<1600xi32, #tpu.memory_space<vmem>>, vector<16xi32>,
    }
    %scan3A_39 = arith.constant 25 : i32
    %scan3A_40 = arith.constant 0 : i32
    %scan3A_41 = arith.constant 10 : i32
    %scan3A_42 = arith.addi %scan3A_40, %scan3A_41 : i32
    %scan3A_43 = arith.constant 1 : i32
    scf.for %scan3A_81 = %scan3A_40 to %scan3A_42 step %scan3A_43  : i32 {
      %mul3A_82 = arith.constant 1 : i32
      %mul3A_83 = arith.muli %scan3A_81, %mul3A_82 : i32
      %add3A_84 = arith.constant 0 : i32
      %add3A_85 = arith.addi %add3A_84, %mul3A_83 : i32
      %mul3A_86 = arith.constant 80 : i32
      %mul3A_87 = arith.muli %add3A_85, %mul3A_86 : i32
      %multiple_of3A_88 = tpu.assume_multiple %mul3A_87, 8 : i32
      %dma_start3A = tpu.memref_slice %arg9[%multiple_of3A_88] : memref<1600xf32, #tpu.memory_space<vmem>> -> memref<80xf32, #tpu.memory_space<vmem>>
      %dma_start3A_89 = tpu.memref_slice %arg8[%multiple_of3A_88] : memref<1600xi32, #tpu.memory_space<vmem>> -> memref<80xi32, #tpu.memory_space<vmem>>
      %dma_start3A_90 = arith.constant 0 : i32
      %dma_start3A_91 = tpu.memref_slice %arg2[%dma_start3A_90] : memref<51200000xf32, #tpu.memory_space<hbm>> -> memref<51200000xf32, #tpu.memory_space<hbm>>
      tpu.enqueue_indirect_dma source(%dma_start3A_91 : memref<51200000xf32, #tpu.memory_space<hbm>>) target(%dma_start3A : memref<80xf32, #tpu.memory_space<vmem>>) offsets(%dma_start3A_89 : memref<80xi32, #tpu.memory_space<vmem>>) semaphore(%arg11 : memref<!tpu.dma_semaphore, #tpu.memory_space<semaphore_mem>>)
    }
    %scan3A_44 = arith.constant 10 : i32
    %scan3A_45 = arith.constant 0 : i32
    %scan3A_46 = arith.constant 25 : i32
    %scan3A_47 = arith.addi %scan3A_45, %scan3A_46 : i32
    %scan3A_48 = arith.constant 1 : i32
    scf.for %scan3A_81 = %scan3A_45 to %scan3A_47 step %scan3A_48  : i32 {
      %mul3A_82 = arith.constant 1 : i32
      %mul3A_83 = arith.muli %scan3A_81, %mul3A_82 : i32
      %add3A_84 = arith.constant 25 : i32
      %add3A_85 = arith.addi %add3A_84, %mul3A_83 : i32
      %add3A_86 = arith.constant 0 : i32
      %add3A_87 = arith.addi %multiple_of3A, %add3A_86 : i32
      %multiple_of3A_88 = tpu.assume_multiple %add3A_87, 8 : i32
      %get3A = arith.index_cast %add3A_85 : i32 to index
      %get3A_89 = arith.index_cast %multiple_of3A_88 : i32 to index
      %get3A_90 = tpu.vector_load %arg6[%get3A, %get3A_89] {strides = array<i32>} : memref<50x128xi32, #tpu.memory_space<vmem>>, vector<1x16xi32>,
      %get3A_91 = vector.shape_cast %get3A_90 : vector<1x16xi32> to vector<16xi32>
      %mul3A_92 = arith.constant 1024000 : i32
      %mul3A_93 = arith.muli %add3A_85, %mul3A_92 : i32
      %shift_right_arithmetic3A = arith.constant 3 : i32
      %shift_right_arithmetic3A_94 = vector.broadcast %shift_right_arithmetic3A : i32 to vector<16xi32>
      %shift_right_arithmetic3A_95 = arith.shrsi %get3A_91, %shift_right_arithmetic3A_94 : vector<16xi32>
      %mul3A_96 = arith.constant 8192 : i32
      %mul3A_97 = vector.broadcast %mul3A_96 : i32 to vector<16xi32>
      %mul3A_98 = arith.muli %shift_right_arithmetic3A_95, %mul3A_97 : vector<16xi32>
      %add3A_99 = vector.broadcast %mul3A_93 : i32 to vector<16xi32>
      %add3A_100 = arith.addi %add3A_99, %mul3A_98 : vector<16xi32>
      %mul3A_101 = arith.constant 1024 : i32
      %mul3A_102 = arith.muli %select_n3A, %mul3A_101 : i32
      %add3A_103 = vector.broadcast %mul3A_102 : i32 to vector<16xi32>
      %add3A_104 = arith.addi %add3A_100, %add3A_103 : vector<16xi32>
      %and3A_105 = arith.constant 7 : i32
      %and3A_106 = vector.broadcast %and3A_105 : i32 to vector<16xi32>
      %and3A_107 = arith.andi %get3A_91, %and3A_106 : vector<16xi32>
      %mul3A_108 = arith.constant 128 : i32
      %mul3A_109 = vector.broadcast %mul3A_108 : i32 to vector<16xi32>
      %mul3A_110 = arith.muli %and3A_107, %mul3A_109 : vector<16xi32>
      %add3A_111 = arith.addi %add3A_104, %mul3A_110 : vector<16xi32>
      %add3A_112 = vector.broadcast %multiple_of3A_88 : i32 to vector<16xi32>
      %add3A_113 = arith.addi %add3A_111, %add3A_112 : vector<16xi32>
      %add3A_114 = arith.addi %add3A_113, %iota3A : vector<16xi32>
      %mul3A_115 = arith.constant 2 : i32
      %mul3A_116 = arith.muli %add3A_85, %mul3A_115 : i32
      %mul3A_117 = arith.constant 16 : i32
      %mul3A_118 = arith.muli %mul3A_116, %mul3A_117 : i32
      %multiple_of3A_119 = tpu.assume_multiple %mul3A_118, 8 : i32
      %add3A_120 = arith.constant 0 : i32
      %add3A_121 = arith.addi %multiple_of3A_119, %add3A_120 : i32
      %swap3A_122 = arith.index_cast %add3A_121 : i32 to index
      %swap3A_123 = tpu.vector_load %arg8[%swap3A_122] {strides = array<i32>} : memref<1600xi32, #tpu.memory_space<vmem>>, vector<16xi32>,
      %swap3A_124 = vector.shape_cast %swap3A_123 : vector<16xi32> to vector<16xi32>
      %swap3A_125 = vector.shape_cast %add3A_114 : vector<16xi32> to vector<16xi32>
      tpu.vector_store %arg8[%swap3A_122], %swap3A_125 {strides = array<i32>} : memref<1600xi32, #tpu.memory_space<vmem>>, vector<16xi32>,
      %add3A_126 = arith.constant 16 : i32
      %add3A_127 = arith.addi %multiple_of3A, %add3A_126 : i32
      %multiple_of3A_128 = tpu.assume_multiple %add3A_127, 8 : i32
      %get3A_129 = arith.index_cast %add3A_85 : i32 to index
      %get3A_130 = arith.index_cast %multiple_of3A_128 : i32 to index
      %get3A_131 = tpu.vector_load %arg6[%get3A_129, %get3A_130] {strides = array<i32>} : memref<50x128xi32, #tpu.memory_space<vmem>>, vector<1x16xi32>,
      %get3A_132 = vector.shape_cast %get3A_131 : vector<1x16xi32> to vector<16xi32>
      %mul3A_133 = arith.constant 1024000 : i32
      %mul3A_134 = arith.muli %add3A_85, %mul3A_133 : i32
      %shift_right_arithmetic3A_135 = arith.constant 3 : i32
      %shift_right_arithmetic3A_136 = vector.broadcast %shift_right_arithmetic3A_135 : i32 to vector<16xi32>
      %shift_right_arithmetic3A_137 = arith.shrsi %get3A_132, %shift_right_arithmetic3A_136 : vector<16xi32>
      %mul3A_138 = arith.constant 8192 : i32
      %mul3A_139 = vector.broadcast %mul3A_138 : i32 to vector<16xi32>
      %mul3A_140 = arith.muli %shift_right_arithmetic3A_137, %mul3A_139 : vector<16xi32>
      %add3A_141 = vector.broadcast %mul3A_134 : i32 to vector<16xi32>
      %add3A_142 = arith.addi %add3A_141, %mul3A_140 : vector<16xi32>
      %mul3A_143 = arith.constant 1024 : i32
      %mul3A_144 = arith.muli %select_n3A, %mul3A_143 : i32
      %add3A_145 = vector.broadcast %mul3A_144 : i32 to vector<16xi32>
      %add3A_146 = arith.addi %add3A_142, %add3A_145 : vector<16xi32>
      %and3A_147 = arith.constant 7 : i32
      %and3A_148 = vector.broadcast %and3A_147 : i32 to vector<16xi32>
      %and3A_149 = arith.andi %get3A_132, %and3A_148 : vector<16xi32>
      %mul3A_150 = arith.constant 128 : i32
      %mul3A_151 = vector.broadcast %mul3A_150 : i32 to vector<16xi32>
      %mul3A_152 = arith.muli %and3A_149, %mul3A_151 : vector<16xi32>
      %add3A_153 = arith.addi %add3A_146, %mul3A_152 : vector<16xi32>
      %add3A_154 = vector.broadcast %multiple_of3A_128 : i32 to vector<16xi32>
      %add3A_155 = arith.addi %add3A_153, %add3A_154 : vector<16xi32>
      %add3A_156 = arith.addi %add3A_155, %iota3A : vector<16xi32>
      %mul3A_157 = arith.constant 2 : i32
      %mul3A_158 = arith.muli %add3A_85, %mul3A_157 : i32
      %mul3A_159 = arith.constant 16 : i32
      %mul3A_160 = arith.muli %mul3A_158, %mul3A_159 : i32
      %multiple_of3A_161 = tpu.assume_multiple %mul3A_160, 8 : i32
      %add3A_162 = arith.constant 16 : i32
      %add3A_163 = arith.addi %multiple_of3A_161, %add3A_162 : i32
      %swap3A_164 = arith.index_cast %add3A_163 : i32 to index
      %swap3A_165 = tpu.vector_load %arg8[%swap3A_164] {strides = array<i32>} : memref<1600xi32, #tpu.memory_space<vmem>>, vector<16xi32>,
      %swap3A_166 = vector.shape_cast %swap3A_165 : vector<16xi32> to vector<16xi32>
      %swap3A_167 = vector.shape_cast %add3A_156 : vector<16xi32> to vector<16xi32>
      tpu.vector_store %arg8[%swap3A_164], %swap3A_167 {strides = array<i32>} : memref<1600xi32, #tpu.memory_space<vmem>>, vector<16xi32>,
    }
    %scan3A_49 = arith.constant 25 : i32
    %scan3A_50 = arith.constant 0 : i32
    %scan3A_51 = arith.constant 10 : i32
    %scan3A_52 = arith.addi %scan3A_50, %scan3A_51 : i32
    %scan3A_53 = arith.constant 1 : i32
    scf.for %scan3A_81 = %scan3A_50 to %scan3A_52 step %scan3A_53  : i32 {
      %mul3A_82 = arith.constant 1 : i32
      %mul3A_83 = arith.muli %scan3A_81, %mul3A_82 : i32
      %add3A_84 = arith.constant 10 : i32
      %add3A_85 = arith.addi %add3A_84, %mul3A_83 : i32
      %mul3A_86 = arith.constant 80 : i32
      %mul3A_87 = arith.muli %add3A_85, %mul3A_86 : i32
      %multiple_of3A_88 = tpu.assume_multiple %mul3A_87, 8 : i32
      %dma_start3A = tpu.memref_slice %arg9[%multiple_of3A_88] : memref<1600xf32, #tpu.memory_space<vmem>> -> memref<80xf32, #tpu.memory_space<vmem>>
      %dma_start3A_89 = tpu.memref_slice %arg8[%multiple_of3A_88] : memref<1600xi32, #tpu.memory_space<vmem>> -> memref<80xi32, #tpu.memory_space<vmem>>
      %dma_start3A_90 = arith.constant 0 : i32
      %dma_start3A_91 = tpu.memref_slice %arg2[%dma_start3A_90] : memref<51200000xf32, #tpu.memory_space<hbm>> -> memref<51200000xf32, #tpu.memory_space<hbm>>
      tpu.enqueue_indirect_dma source(%dma_start3A_91 : memref<51200000xf32, #tpu.memory_space<hbm>>) target(%dma_start3A : memref<80xf32, #tpu.memory_space<vmem>>) offsets(%dma_start3A_89 : memref<80xi32, #tpu.memory_space<vmem>>) semaphore(%arg12 : memref<!tpu.dma_semaphore, #tpu.memory_space<semaphore_mem>>)
    }
    %scan3A_54 = arith.constant 10 : i32
    %scan3A_55 = arith.constant 0 : i32
    %scan3A_56 = arith.constant 10 : i32
    %scan3A_57 = arith.addi %scan3A_55, %scan3A_56 : i32
    %scan3A_58 = arith.constant 1 : i32
    scf.for %scan3A_81 = %scan3A_55 to %scan3A_57 step %scan3A_58  : i32 {
      %mul3A_82 = arith.constant 1 : i32
      %mul3A_83 = arith.muli %scan3A_81, %mul3A_82 : i32
      %add3A_84 = arith.constant 0 : i32
      %add3A_85 = arith.addi %add3A_84, %mul3A_83 : i32
      %mul3A_86 = arith.constant 80 : i32
      %mul3A_87 = arith.muli %add3A_85, %mul3A_86 : i32
      %multiple_of3A_88 = tpu.assume_multiple %mul3A_87, 8 : i32
      %dma_wait3A = tpu.memref_slice %arg9[%multiple_of3A_88] : memref<1600xf32, #tpu.memory_space<vmem>> -> memref<80xf32, #tpu.memory_space<vmem>>
      %dma_wait3A_89 = tpu.memref_slice %arg8[%multiple_of3A_88] : memref<1600xi32, #tpu.memory_space<vmem>> -> memref<80xi32, #tpu.memory_space<vmem>>
      %dma_wait3A_90 = arith.constant 0 : i32
      %dma_wait3A_91 = tpu.memref_slice %arg2[%dma_wait3A_90] : memref<51200000xf32, #tpu.memory_space<hbm>> -> memref<51200000xf32, #tpu.memory_space<hbm>>
      tpu.wait_indirect_dma semaphore(%arg11 : memref<!tpu.dma_semaphore, #tpu.memory_space<semaphore_mem>>) src(%dma_wait3A_91 : memref<51200000xf32, #tpu.memory_space<hbm>>) dst(%dma_wait3A : memref<80xf32, #tpu.memory_space<vmem>>)
    }
    %scan3A_59 = arith.constant 10 : i32
    %broadcast_in_dim3A = arith.constant 0.000000e+00 : f32
    %broadcast_in_dim3A_60 = vector.broadcast %broadcast_in_dim3A : f32 to vector<16xf32>
    %scan3A_61 = arith.constant 0 : i32
    %scan3A_62 = arith.constant 50 : i32
    %scan3A_63 = arith.addi %scan3A_61, %scan3A_62 : i32
    %scan3A_64 = arith.constant 1 : i32
    %scan3A_65 = scf.for %scan3A_81 = %scan3A_61 to %scan3A_63 step %scan3A_64 iter_args(%scan3A_82 = %broadcast_in_dim3A_60) -> (vector<16xf32>)  : i32 {
      %jit3A_83 = arith.constant 2 : i32
      %div3A_84 = arith.divsi %scan3A_81, %jit3A_83 : i32
      %sign3A_85 = arith.constant 0 : i32
      %sign3A_86 = arith.cmpi sgt, %scan3A_81, %sign3A_85 : i32
      %sign3A_87 = arith.extui %sign3A_86 : i1 to i32
      %sign3A_88 = arith.constant 0 : i32
      %sign3A_89 = arith.cmpi slt, %scan3A_81, %sign3A_88 : i32
      %sign3A_90 = arith.extui %sign3A_89 : i1 to i32
      %sign3A_91 = arith.subi %sign3A_87, %sign3A_90 : i32
      %sign3A_92 = arith.constant 0 : i32
      %sign3A_93 = arith.cmpi sgt, %jit3A_83, %sign3A_92 : i32
      %sign3A_94 = arith.extui %sign3A_93 : i1 to i32
      %sign3A_95 = arith.constant 0 : i32
      %sign3A_96 = arith.cmpi slt, %jit3A_83, %sign3A_95 : i32
      %sign3A_97 = arith.extui %sign3A_96 : i1 to i32
      %sign3A_98 = arith.subi %sign3A_94, %sign3A_97 : i32
      %ne3A_99 = arith.cmpi ne, %sign3A_91, %sign3A_98 : i32
      %rem3A_100 = arith.remsi %scan3A_81, %jit3A_83 : i32
      %ne3A_101 = arith.constant 0 : i32
      %ne3A_102 = arith.cmpi ne, %rem3A_100, %ne3A_101 : i32
      %and3A_103 = arith.andi %ne3A_99, %ne3A_102 : i1
      %sub3A_104 = arith.constant 1 : i32
      %sub3A_105 = arith.subi %div3A_84, %sub3A_104 : i32
      %select_n3A_106 = arith.select %and3A_103, %sub3A_105, %div3A_84 : i32
      %rem3A_107 = arith.constant 2 : i32
      %rem3A_108 = arith.remsi %scan3A_81, %rem3A_107 : i32
      %mul3A_109 = arith.constant 16 : i32
      %mul3A_110 = arith.muli %rem3A_108, %mul3A_109 : i32
      %add3A_111 = arith.addi %multiple_of3A, %mul3A_110 : i32
      %multiple_of3A_112 = tpu.assume_multiple %add3A_111, 8 : i32
      %get3A = arith.index_cast %select_n3A_106 : i32 to index
      %get3A_113 = arith.index_cast %multiple_of3A_112 : i32 to index
      %get3A_114 = tpu.vector_load %arg7[%get3A, %get3A_113] {strides = array<i32>} : memref<50x128xf32, #tpu.memory_space<vmem>>, vector<1x16xf32>,
      %get3A_115 = vector.shape_cast %get3A_114 : vector<1x16xf32> to vector<16xf32>
      %mul3A_116 = arith.constant 16 : i32
      %mul3A_117 = arith.muli %scan3A_81, %mul3A_116 : i32
      %multiple_of3A_118 = tpu.assume_multiple %mul3A_117, 8 : i32
      %get3A_119 = arith.index_cast %multiple_of3A_118 : i32 to index
      %get3A_120 = tpu.vector_load %arg9[%get3A_119] {strides = array<i32>} : memref<1600xf32, #tpu.memory_space<vmem>>, vector<16xf32>,
      %get3A_121 = vector.shape_cast %get3A_120 : vector<16xf32> to vector<16xf32>
      %mul3A_122 = arith.mulf %get3A_121, %get3A_115 : vector<16xf32>
      %add3A_123 = arith.addf %scan3A_82, %mul3A_122 : vector<16xf32>
      scf.yield %add3A_123 : vector<16xf32>
    }
    %scan3A_66 = arith.constant 50 : i32
    %scan3A_67 = arith.constant 0 : i32
    %scan3A_68 = arith.constant 10 : i32
    %scan3A_69 = arith.addi %scan3A_67, %scan3A_68 : i32
    %scan3A_70 = arith.constant 1 : i32
    scf.for %scan3A_81 = %scan3A_67 to %scan3A_69 step %scan3A_70  : i32 {
      %mul3A_82 = arith.constant 1 : i32
      %mul3A_83 = arith.muli %scan3A_81, %mul3A_82 : i32
      %add3A_84 = arith.constant 10 : i32
      %add3A_85 = arith.addi %add3A_84, %mul3A_83 : i32
      %mul3A_86 = arith.constant 80 : i32
      %mul3A_87 = arith.muli %add3A_85, %mul3A_86 : i32
      %multiple_of3A_88 = tpu.assume_multiple %mul3A_87, 8 : i32
      %dma_wait3A = tpu.memref_slice %arg9[%multiple_of3A_88] : memref<1600xf32, #tpu.memory_space<vmem>> -> memref<80xf32, #tpu.memory_space<vmem>>
      %dma_wait3A_89 = tpu.memref_slice %arg8[%multiple_of3A_88] : memref<1600xi32, #tpu.memory_space<vmem>> -> memref<80xi32, #tpu.memory_space<vmem>>
      %dma_wait3A_90 = arith.constant 0 : i32
      %dma_wait3A_91 = tpu.memref_slice %arg2[%dma_wait3A_90] : memref<51200000xf32, #tpu.memory_space<hbm>> -> memref<51200000xf32, #tpu.memory_space<hbm>>
      tpu.wait_indirect_dma semaphore(%arg12 : memref<!tpu.dma_semaphore, #tpu.memory_space<semaphore_mem>>) src(%dma_wait3A_91 : memref<51200000xf32, #tpu.memory_space<hbm>>) dst(%dma_wait3A : memref<80xf32, #tpu.memory_space<vmem>>)
    }
    %scan3A_71 = arith.constant 10 : i32
    %scan3A_72 = arith.constant 50 : i32
    %scan3A_73 = arith.constant 50 : i32
    %scan3A_74 = arith.addi %scan3A_72, %scan3A_73 : i32
    %scan3A_75 = arith.constant 1 : i32
    %scan3A_76 = scf.for %scan3A_81 = %scan3A_72 to %scan3A_74 step %scan3A_75 iter_args(%scan3A_82 = %scan3A_65) -> (vector<16xf32>)  : i32 {
      %jit3A_83 = arith.constant 2 : i32
      %div3A_84 = arith.divsi %scan3A_81, %jit3A_83 : i32
      %sign3A_85 = arith.constant 0 : i32
      %sign3A_86 = arith.cmpi sgt, %scan3A_81, %sign3A_85 : i32
      %sign3A_87 = arith.extui %sign3A_86 : i1 to i32
      %sign3A_88 = arith.constant 0 : i32
      %sign3A_89 = arith.cmpi slt, %scan3A_81, %sign3A_88 : i32
      %sign3A_90 = arith.extui %sign3A_89 : i1 to i32
      %sign3A_91 = arith.subi %sign3A_87, %sign3A_90 : i32
      %sign3A_92 = arith.constant 0 : i32
      %sign3A_93 = arith.cmpi sgt, %jit3A_83, %sign3A_92 : i32
      %sign3A_94 = arith.extui %sign3A_93 : i1 to i32
      %sign3A_95 = arith.constant 0 : i32
      %sign3A_96 = arith.cmpi slt, %jit3A_83, %sign3A_95 : i32
      %sign3A_97 = arith.extui %sign3A_96 : i1 to i32
      %sign3A_98 = arith.subi %sign3A_94, %sign3A_97 : i32
      %ne3A_99 = arith.cmpi ne, %sign3A_91, %sign3A_98 : i32
      %rem3A_100 = arith.remsi %scan3A_81, %jit3A_83 : i32
      %ne3A_101 = arith.constant 0 : i32
      %ne3A_102 = arith.cmpi ne, %rem3A_100, %ne3A_101 : i32
      %and3A_103 = arith.andi %ne3A_99, %ne3A_102 : i1
      %sub3A_104 = arith.constant 1 : i32
      %sub3A_105 = arith.subi %div3A_84, %sub3A_104 : i32
      %select_n3A_106 = arith.select %and3A_103, %sub3A_105, %div3A_84 : i32
      %rem3A_107 = arith.constant 2 : i32
      %rem3A_108 = arith.remsi %scan3A_81, %rem3A_107 : i32
      %mul3A_109 = arith.constant 16 : i32
      %mul3A_110 = arith.muli %rem3A_108, %mul3A_109 : i32
      %add3A_111 = arith.addi %multiple_of3A, %mul3A_110 : i32
      %multiple_of3A_112 = tpu.assume_multiple %add3A_111, 8 : i32
      %get3A = arith.index_cast %select_n3A_106 : i32 to index
      %get3A_113 = arith.index_cast %multiple_of3A_112 : i32 to index
      %get3A_114 = tpu.vector_load %arg7[%get3A, %get3A_113] {strides = array<i32>} : memref<50x128xf32, #tpu.memory_space<vmem>>, vector<1x16xf32>,
      %get3A_115 = vector.shape_cast %get3A_114 : vector<1x16xf32> to vector<16xf32>
      %mul3A_116 = arith.constant 16 : i32
      %mul3A_117 = arith.muli %scan3A_81, %mul3A_116 : i32
      %multiple_of3A_118 = tpu.assume_multiple %mul3A_117, 8 : i32
      %get3A_119 = arith.index_cast %multiple_of3A_118 : i32 to index
      %get3A_120 = tpu.vector_load %arg9[%get3A_119] {strides = array<i32>} : memref<1600xf32, #tpu.memory_space<vmem>>, vector<16xf32>,
      %get3A_121 = vector.shape_cast %get3A_120 : vector<16xf32> to vector<16xf32>
      %mul3A_122 = arith.mulf %get3A_121, %get3A_115 : vector<16xf32>
      %add3A_123 = arith.addf %scan3A_82, %mul3A_122 : vector<16xf32>
      scf.yield %add3A_123 : vector<16xf32>
    }
    %scan3A_77 = arith.constant 50 : i32
    %swap3A = arith.constant 0 : index
    %swap3A_78 = tpu.vector_load %arg10[%swap3A] {strides = array<i32>} : memref<16xf32, #tpu.memory_space<vmem>>, vector<16xf32>,
    %swap3A_79 = vector.shape_cast %swap3A_78 : vector<16xf32> to vector<16xf32>
    %swap3A_80 = vector.shape_cast %scan3A_76 : vector<16xf32> to vector<16xf32>
    tpu.vector_store %arg10[%swap3A], %swap3A_80 {strides = array<i32>} : memref<16xf32, #tpu.memory_space<vmem>>, vector<16xf32>,
    "tpu.region"() ({
      %run_scoped3A = tpu.sem_alloc : memref<!tpu.dma_semaphore, #tpu.memory_space<semaphore_mem>>
      %dma_start3A = arith.constant 0 : i32
      %dma_start3A_81 = tpu.memref_slice %arg5[%add3A, %dma_start3A] : memref<32x16xf32, #tpu.memory_space<hbm>> -> memref<1x16xf32, #tpu.memory_space<hbm>>
      %dma_start3A_82 = tpu.memref_squeeze %dma_start3A_81 : memref<1x16xf32, #tpu.memory_space<hbm>> -> memref<16xf32, #tpu.memory_space<hbm>>
      %dma_start3A_83 = arith.constant 0 : i32
      %dma_start3A_84 = tpu.memref_slice %arg5[%add3A, %dma_start3A_83] : memref<32x16xf32, #tpu.memory_space<hbm>> -> memref<1x16xf32, #tpu.memory_space<hbm>>
      %dma_start3A_85 = tpu.memref_squeeze %dma_start3A_84 : memref<1x16xf32, #tpu.memory_space<hbm>> -> memref<16xf32, #tpu.memory_space<hbm>>
      tpu.enqueue_dma source(%arg10 : memref<16xf32, #tpu.memory_space<vmem>>) target(%dma_start3A_85 : memref<16xf32, #tpu.memory_space<hbm>>) target_semaphore(%run_scoped3A : memref<!tpu.dma_semaphore, #tpu.memory_space<semaphore_mem>>)
      %dma_wait3A = arith.constant 0 : i32
      %dma_wait3A_86 = tpu.memref_slice %arg5[%add3A, %dma_wait3A] : memref<32x16xf32, #tpu.memory_space<hbm>> -> memref<1x16xf32, #tpu.memory_space<hbm>>
      %dma_wait3A_87 = tpu.memref_squeeze %dma_wait3A_86 : memref<1x16xf32, #tpu.memory_space<hbm>> -> memref<16xf32, #tpu.memory_space<hbm>>
      %dma_wait3A_88 = arith.constant 0 : i32
      %dma_wait3A_89 = tpu.memref_slice %arg5[%add3A, %dma_wait3A_88] : memref<32x16xf32, #tpu.memory_space<hbm>> -> memref<1x16xf32, #tpu.memory_space<hbm>>
      %dma_wait3A_90 = tpu.memref_squeeze %dma_wait3A_89 : memref<1x16xf32, #tpu.memory_space<hbm>> -> memref<16xf32, #tpu.memory_space<hbm>>
      tpu.wait_dma2 semaphore(%run_scoped3A : memref<!tpu.dma_semaphore, #tpu.memory_space<semaphore_mem>>) src(%arg10 : memref<16xf32, #tpu.memory_space<vmem>>) dst(%dma_wait3A_90 : memref<16xf32, #tpu.memory_space<hbm>>)
      tpu.yield
    }) : () -> ()
    return
  }
}

module attributes {stable_mosaic.version = 14 : i64} {
  func.func @_finish_body(%arg0: memref<32x16xf32, #tpu.memory_space<vmem>>, %arg1: memref<50x1024xf32, #tpu.memory_space<vmem>>, %arg2: memref<1x1xf32, #tpu.memory_space<vmem>>) attributes {dimension_semantics = [], scalar_prefetch = 0 : i64, scratch_operands = 0 : i64, tpu.core_type = #tpu.core_type<tc>} {
    %get3A = arith.constant 0 : index
    %get3A_0 = arith.constant 0 : index
    %get3A_1 = vector.load %arg0[%get3A, %get3A_0] : memref<32x16xf32, #tpu.memory_space<vmem>>, vector<32x16xf32>
    %reduce_sum3A = vector.shape_cast %get3A_1 : vector<32x16xf32> to vector<1x32x16xf32>
    %reduce_sum3A_2 = arith.constant dense<0.000000e+00> : vector<1xf32>
    %reduce_sum3A_3 = vector.multi_reduction <add>, %reduce_sum3A, %reduce_sum3A_2 [1, 2] : vector<1x32x16xf32> to vector<1xf32>
    %reduce_sum3A_4 = vector.shape_cast %reduce_sum3A_3 : vector<1xf32> to vector<1x1x1xf32>
    %reduce_sum3A_5 = vector.extract %reduce_sum3A_4[0, 0, 0] : f32 from vector<1x1x1xf32>
    %neg3A = arith.constant 0.000000e+00 : f32
    %neg3A_6 = arith.subf %neg3A, %reduce_sum3A_5 : f32
    %get3A_7 = arith.constant 0 : index
    %get3A_8 = arith.constant 0 : index
    %get3A_9 = vector.load %arg1[%get3A_7, %get3A_8] : memref<50x1024xf32, #tpu.memory_space<vmem>>, vector<50x1024xf32>
    %reduce_sum3A_10 = vector.shape_cast %get3A_9 : vector<50x1024xf32> to vector<1x50x1024xf32>
    %reduce_sum3A_11 = arith.constant dense<0.000000e+00> : vector<1xf32>
    %reduce_sum3A_12 = vector.multi_reduction <add>, %reduce_sum3A_10, %reduce_sum3A_11 [1, 2] : vector<1x50x1024xf32> to vector<1xf32>
    %reduce_sum3A_13 = vector.shape_cast %reduce_sum3A_12 : vector<1xf32> to vector<1x1x1xf32>
    %reduce_sum3A_14 = vector.extract %reduce_sum3A_13[0, 0, 0] : f32 from vector<1x1x1xf32>
    %div3A = arith.divf %neg3A_6, %reduce_sum3A_14 : f32
    %broadcast_in_dim3A = vector.broadcast %div3A : f32 to vector<1x1xf32>
    %swap3A = arith.constant 0 : index
    %swap3A_15 = arith.constant 0 : index
    %swap3A_16 = vector.load %arg2[%swap3A, %swap3A_15] : memref<1x1xf32, #tpu.memory_space<vmem>>, vector<1x1xf32>
    tpu.vector_store %arg2[%swap3A, %swap3A_15], %broadcast_in_dim3A {strides = array<i32>} : memref<1x1xf32, #tpu.memory_space<vmem>>, vector<1x1xf32>,
    return
  }
}

</mosaic_0001>

<sc_bundles>
// kernel: kernel.4.cloned.1.call-start
scs
__scs_entry_jumppad:
0x0: {  	(pc) =	sbr.rel $0x88, $3  }
0x1: {  	(tag) =	ssettag $0x0;
	lr =	simm.s32 $0x1  }
0x2: {  	[smem:$0x3F9E] =	sst lr;
	_ =	strace $0xD0000000  }
0x3: {  	_ = 	snop  }
0x4: {  	_ = 	snop  }
0x5: {  	_ = 	snop  }
0x6: {  	_ = 	snop  }
0x7: {  	_ = 	snop  }
__scs_overlays_trampoline_lowered:
0x8: {  	[smem:$0x3FAD] =	sst s0  }
0x9: {  	[smem:$0x3FAE] =	sst s1  }
0xa: {  	[smem:$0x3FAF] =	sst s2  }
0xb: {  	[smem:$0x3FB0] =	sst s3  }
0xc: {  	[smem:$0x3FB1] =	sst s4  }
0xd: {  	[smem:$0x3FB2] =	sst s5  }
0xe: {  	[smem:$0x3FB3] =	sst s6  }
0xf: {  	[smem:$0x3FB4] =	sst s7  }
0x10: {  	[smem:$0x3FB5] =	sst s8  }
0x11: {  	[smem:$0x3FB6] =	sst s9;
	s0 =	simm.s32 @!p0 $0x0  }
0x12: {  	s1 =	sld [smem:$0x3F9C];
	s0 =	simm.s32 @p0 $0x1  }
0x13: {  	[smem:$0x3FB7] =	sst s0;
	s0 =	simm.s32 @!p1 $0x0  }
0x14: {  	s2 =	sld [smem:$0x3F9B];
	s0 =	simm.s32 @p1 $0x1  }
0x15: {  	[smem:$0x3FB8] =	sst s0;
	s0 =	simm.s32 @!p2 $0x0  }
0x16: {  	s3 =	sld [smem:$0x3FDB];
	s0 =	simm.s32 @p2 $0x1  }
0x17: {  	s4 =	simm.s32 $0x1BF5;
	[smem:$0x3FBA] =	sst s0  }
0x18: {  	s0 =	sld [smem:$0x3F9D];
	_ =	swait.ge [sflag:s4], $0x0  }
0x19: {  	s7 =	sld [smem:$0x3F9E]  }
0x1a: {  	s8 =	sadd.s32 $0xFFFFE003, lr  }
0x1b: {  	s9 =	sadd.s32 $0xFFFFFEF7, lr;
	s5 =	simm.s32 $0xFFFFFFFF;
	p2 =	slt.u32 s8, $0xFFFFF086  }
0x1c: {  	p1 =	slt.u32 s9, $0xF7A;
	s5 =	simm.s32 @!p2 $0x0  }
0x1d: {  	s5 =	simm.s32 @p1 $0x1;
	p0 =	seq.s32 s7, s2  }
0x1e: {  	s7 =	smul.u32 @!p0 $0xF7A, s2;
	p2 =	seq.s32 @!p0 s5, $0x0  }
0x1f: {  	s9 =	smul.u32 $0xF7A, s1;
	s8 =	simm.s32 @!p0 $0x1BF5;
	p2 =	por !p2, p0  }
0x20: {  	[sflag:s8] =	ssyncset.s32 @!p0 $0xFFFFF086;
	s6 =	sadd.s32 @!p0 s3, s7;
	s7 =	simm.s32 @!p0 $0x108  }
0x21: {  	s3 =	sadd.s32 s3, s9;
	s6 =	sadd.s32 @!p0 $0x88, s6;
	s7 =	simm.s32 @p2 $0x1082  }
0x22: {  	[simem:s7], [sflag:s8] =	dma.local @!p0 [hbm:s6], $0xF7A  }
0x23: {  	s9 =	sor.u32 $0xD0000000, s2;
	s6 =	simm.s32 $0x108;
	_ =	swait.ge @!p0 [sflag:s8], $0x0  }
0x24: {  	s3 =	sadd.s32 $0x88, s3;
	s6 =	simm.s32 @!p1 $0x1082;
	[sflag:s4] =	ssyncset.s32 $0xFFFFF086  }
0x25: {  	[simem:s6], [sflag:s4] =	dma.local [hbm:s3], $0xF7A  }
0x26: {  	[smem:$0x3F9E] =	sst s1;
	(tag) =	ssettag s2;
	_ =	strace s9  }
0x27: {  	s1 =	sld [smem:$0x3FAE]  }
0x28: {  	s2 =	sld [smem:$0x3FAF]  }
0x29: {  	s4 =	sld [smem:$0x3FB1]  }
0x2a: {  	p0 =	seq.s32 s5, $0x0;
	s5 =	sld [smem:$0x3FB2]  }
0x2b: {  	s6 =	sld [smem:$0x3FB3]  }
0x2c: {  	s7 =	sld [smem:$0x3FB4]  }
0x2d: {  	s3 =	simm.s32 $0x108;
	s8 =	sld [smem:$0x3FB5]  }
0x2e: {  	s3 =	simm.s32 @!p0 $0x1082;
	s9 =	sld [smem:$0x3FB6]  }
0x2f: {  	lr =	sadd.s32 s0, s3;
	s0 =	sld [smem:$0x3FAD]  }
0x30: {  	s3 =	sld [smem:$0x3FB0]  }
0x31: {  	[smem:$0x3FB9] =	sst s10  }
0x32: {  	s10 =	sld [smem:$0x3FB7];
	_ =	sdelay $0x3  }
0x33: {  	p0 =	seq.s32 s10, $0x1;
	s10 =	sld [smem:$0x3FB9];
	_ =	sdelay $0x3  }
0x34: {  	[smem:$0x3FB9] =	sst s10  }
0x35: {  	s10 =	sld [smem:$0x3FB8];
	_ =	sdelay $0x3  }
0x36: {  	p1 =	seq.s32 s10, $0x1;
	s10 =	sld [smem:$0x3FB9];
	_ =	sdelay $0x3  }
0x37: {  	[smem:$0x3FB9] =	sst s10  }
0x38: {  	s10 =	sld [smem:$0x3FBA]  }
0x39: {  	_ = 	snop;
	(pc) =	sbr.ind lr, $3  }
0x3a: {  	_ = 	snop  }
0x3b: {  	_ = 	snop  }
0x3c: {  	p2 =	seq.s32 s10, $0x1;
	s10 =	sld [smem:$0x3FB9]  }
0x3d: {  	_ =	shalt  }
0x3e: {  	_ =	shalt  }
0x3f: {  	_ =	shalt  }
0x40: {  	_ =	shalt  }
0x41: {  	_ =	shalt  }
0x42: {  	_ =	shalt  }
0x43: {  	_ =	shalt  }
0x44: {  	_ =	shalt  }
0x45: {  	_ =	shalt  }
0x46: {  	_ =	shalt  }
0x47: {  	_ =	shalt  }
0x48: {  	_ =	shalt  }
0x49: {  	_ =	shalt  }
0x4a: {  	_ =	shalt  }
0x4b: {  	_ =	shalt  }
0x4c: {  	_ =	shalt  }
0x4d: {  	_ =	shalt  }
0x4e: {  	_ =	shalt  }
0x4f: {  	_ =	shalt  }
0x50: {  	_ =	shalt  }
0x51: {  	_ =	shalt  }
0x52: {  	_ =	shalt  }
0x53: {  	_ =	shalt  }
0x54: {  	_ =	shalt  }
0x55: {  	_ =	shalt  }
0x56: {  	_ =	shalt  }
0x57: {  	_ =	shalt  }
0x58: {  	_ =	shalt  }
0x59: {  	_ =	shalt  }
0x5a: {  	_ =	shalt  }
0x5b: {  	_ =	shalt  }
0x5c: {  	_ =	shalt  }
0x5d: {  	_ =	shalt  }
0x5e: {  	_ =	shalt  }
0x5f: {  	_ =	shalt  }
0x60: {  	_ =	shalt  }
0x61: {  	_ =	shalt  }
0x62: {  	_ =	shalt  }
0x63: {  	_ =	shalt  }
0x64: {  	_ =	shalt  }
0x65: {  	_ =	shalt  }
0x66: {  	_ =	shalt  }
0x67: {  	_ =	shalt  }
0x68: {  	_ =	shalt  }
0x69: {  	_ =	shalt  }
0x6a: {  	_ =	shalt  }
0x6b: {  	_ =	shalt  }
0x6c: {  	_ =	shalt  }
0x6d: {  	_ =	shalt  }
0x6e: {  	_ =	shalt  }
0x6f: {  	_ =	shalt  }
0x70: {  	_ =	shalt  }
0x71: {  	_ =	shalt  }
0x72: {  	_ =	shalt  }
0x73: {  	_ =	shalt  }
0x74: {  	_ =	shalt  }
0x75: {  	_ =	shalt  }
0x76: {  	_ =	shalt  }
0x77: {  	_ =	shalt  }
0x78: {  	_ =	shalt  }
0x79: {  	_ =	shalt  }
0x7a: {  	_ =	shalt  }
0x7b: {  	_ =	shalt  }
0x7c: {  	_ =	shalt  }
0x7d: {  	_ =	shalt  }
0x7e: {  	_ =	shalt  }
0x7f: {  	_ =	shalt  }
0x80: {  	_ =	shalt  }
0x81: {  	_ =	shalt  }
0x82: {  	_ =	shalt  }
0x83: {  	_ =	shalt  }
0x84: {  	_ =	shalt  }
0x85: {  	_ =	shalt  }
0x86: {  	_ =	shalt  }
0x87: {  	_ =	shalt  }
.Lfunc_end0:
.L_simem_size_0:
called_computation_lowered:
.L_overlay_start_0:
0x88: {  	s2 =	sld [smem:$0x3FD9]  }
0x89: {  	s3 =	sld [smem:$0x3FFE];
	_ =	sdelay $0x1  }
0x8a: {  	s1 =	srdreg.scid  }
0x8b: {  	s0 =	sand.u32 $0x1, s1  }
0x8c: {  	s17 =	sshll.u32 s0, $0xA;
	s2 =	sadd.s32 s3, s2  }
0x8d: {  	s2 =	sadd.s32 s2, s17  }
0x8e: {  	[smem:$0x3FC5] =	sst s2  }
0x8f: {  	_ = 	snop  }
0x90: {  	s2 =	sld [smem:$0x3FC9]  }
0x91: {  	s18 =	sld [smem:$0x3FC8]  }
0x92: {  	s4 =	sld [smem:$0x3FC7];
	(tm) =	ssettm $0x1  }
0x93: {  	s5 =	sld [smem:$0x3FFB];
	_ =	sdelay $0x3  }
0x94: {  	_ =	strace s5  }
0x95: {  	s5 =	sld [smem:$0x3FFC];
	_ =	sdelay $0x3  }
0x96: {  	_ =	strace s5  }
0x97: {  	s5 =	sld [smem:$0x3FFD];
	_ =	sdelay $0x3  }
0x98: {  	_ =	strace s5  }
0x99: {  	_ =	strace $0x8FFFFFFF  }
0x9a: {  	s19 =	sld [smem:$0x3FDB];
	_ =	sdelay $0x1  }
0x9b: {  	s6 =	simm.s32 $_scs_section_size  }
0x9c: {  	s7 =	simm.s32 $_size__tile_overlayer_lowered;
	s8 =	simm.s32 $_tile_overlayer_lowered  }
0x9d: {  	s22 =	simm.s32 $0x1BFF;
	s21 =	sshll.u32 s8, $0x1;
	s5 =	sadd.s32 s6, s19  }
0x9e: {  	s9 =	simm.s32 $0x0;
	s20 =	sshll.u32 s7, $0x1;
	s7 =	sadd.s32 s21, s5  }
0x9f: {  	[timem:s9], [sflag:s22] =	dma.local [hbm:s7], s20  }
0xa0: {  	_ =	swait.ge [sflag:s22], s20  }
0xa1: {  	s6 =	ssub.s32 $0x0, s20;
	[sflag:s22] =	ssyncset.done $0x0  }
0xa2: {  	[sflag:s22] =	ssyncadd.s32 s6;
	_ =	sdelay $0x1  }
0xa3: {  	s23 =	simm.s32 $0x1B8B  }
0xa4: {  	_ =	swait.ge [sflag:s23], $0x1  }
0xa5: {  	[sflag:s23] =	ssyncset.done $0x0  }
0xa6: {  	s25 =	simm.s32 $0x1B8E;
	s24 =	sld [smem:$0x3FFE];
	[sflag:s23] =	ssyncadd.s32 $0xFFFFFFFF  }
0xa7: {  	s26 =	simm.s32 $execute0_lowered;
	[smem:$0x3FD2] =	sst s25  }
0xa8: {  	s7 =	sshll.u32 s26, $0x1;
	_ =	strace $0x80000046;
	[dreg:$0x1] =	wrdreg $0xFFFFFFFF  }
0xa9: {  	s28 =	simm.s32 $_size_execute0_lowered;
	s5 =	sadd.s32 s5, s7;
	[dreg:$0x0] =	wrdreg $0x0  }
0xaa: {  	s7 =	sshll.u32 s28, $0x1;
	[dreg:$0x2] =	wrdreg s5  }
0xab: {  	[dreg:$0x3] =	wrdreg s7  }
0xac: {  	[dreg:$0x4] =	wrdreg $0xC0  }
0xad: {  	_ =	task [dreg:s9], $0x5FFFF  }
0xae: {  	[dreg:$0x1] =	wrdreg $0xFFFFFFFF  }
0xaf: {  	[dreg:$0x0] =	wrdreg $0x60  }
0xb0: {  	[dreg:$0x2] =	wrdreg s2  }
0xb1: {  	[dreg:$0x3] =	wrdreg s18  }
0xb2: {  	[dreg:$0x4] =	wrdreg s4  }
0xb3: {  	[dreg:$0x5] =	wrdreg s24  }
0xb4: {  	[dreg:$0x6] =	wrdreg $0x9  }
0xb5: {  	_ =	task.clear_ibuf [dreg:s9], $0x7FFFF;
	_ =	strace $0x90000046  }
0xb6: {  	s29 =	simm.s32 $0x9;
	_ =	strace $0x80000048  }
0xb7: {  	_ =	swait.ge [sflag:s29], $0x1  }
0xb8: {  	[sflag:s29] =	ssyncadd.s32 $0xFFFFFFFF  }
0xb9: {  	_ =	strace $0x90000048  }
0xba: {  	_ =	sfence  }
0xbb: {  	s30 =	sld [smem:$0x0];
	_ =	sdelay $0x2  }
0xbc: {  	s31 =	sshll.u32 s1, $0xD;
	s1 =	sshrl.u32 s1, $0x2  }
0xbd: {  	s3 =	sand.u32 $0x4000, s31;
	s1 =	sadd.s32 s1, s30  }
0xbe: {  	s0 =	sor.u32 s3, s0;
	s1 =	sshll.u32 s1, $0x11  }
0xbf: {  	s0 =	sor.u32 s1, s0  }
0xc0: {  	s0 =	sadd.s32 $0x8F2B, s0  }
0xc1: {  	[sflag:s0] =	ssyncadd.remote.s32 $0x1  }
0xc2: {  	_ =	sfence.sel $0xFFFF  }
0xc3: {  	[dreg:$0x0] =	wrdreg $0xFFFFFFFF;
	(pc) =	sbr.abs _section_cstart, $3  }
0xc4: {  	[dreg:$0x1] =	wrdreg $0xFFFFFFFF  }
0xc5: {  	_ =	task.clear_ibuf [dreg:s9], $0x2FFFF;
	_ =	strace $0x9FFFFFFF  }
0xc6: {  	(tm) =	ssettm $0x7FFFFFFF  }
0xc7: {  	_ =	shalt  }
tec
execute0_lowered:
.L_overlay_start_1:
0x0: {  	(tag) =	ssettag $0x1  }
0x1: {  	s1 =	rddreg [dreg:$0x0]  }
0x2: {  	s0 =	rddreg [dreg:$0x1]  }
0x3: {  	s2 =	rddreg [dreg:$0x2]  }
0x4: {  	s4 =	rddreg [dreg:$0x3]  }
0x5: {  	s5 =	srdreg.scid;
	s13 =	stileid.u32  }
0x6: {  	s3 =	simm.s32 $0x0;
	s14 =	simm.s32 $0x2000;
	s16 =	simm.s32 $0x3  }
0x7: {  	s20 =	simm.s32 $0x50;
	s28 =	simm.s32 $0x3DA0;
	s29 =	simm.s32 $0x4420  }
0x8: {  	s30 =	simm.s32 $0x3DF0;
	s31 =	simm.s32 $0x4470;
	s17 =	simm.s32 $0x0  }
0x9: {  	s8 =	sand.u32 $0x1, s5;
	s21 =	sshll.u32 s13, $0x1;
	[smem:$0x7FF] =	sst s3  }
0xa: {  	s7 =	sshrl.u32 s13, $0x1;
	s25 =	sshll.u32 s13, $0x6;
	s13 =	simm.s32 $0x400  }
0xb: {  	s5 =	sor.u32 s8, s21;
	_ =	strace $0x80000047;
	s22 =	ssub.s32 $0x2, s8  }
0xc: {  	s10 =	sshll.u32 s7, $0x7;
	s7 =	sshll.u32 s7, $0xA;
	s26 =	sshll.u32 s8, $0x5  }
0xd: {  	s6 =	sshll.u32 s5, $0x4;
	s23 =	sshrl.u32 s22, $0x1;
	s5 =	sshll.u32 s5, $0x5  }
0xe: {  	s9 =	sadd.s32 s6, s4;
	s11 =	ssub.s32 s22, s23;
	s12 =	sand.u32 $0x60, s5  }
0xf: {  	s4 =	sadd.s32 s0, s10;
	s6 =	sadd.s32 s2, s10;
	s0 =	sor.u32 s26, s25  }
0x10: {  	s25 =	simm.s32 $0x3D50;
	s26 =	simm.s32 $0x43D0;
	s2 =	simm.s32 $0x2  }
0x11: {  	s5 =	sadd.s32 $0x1800, s4;
	s24 =	sor.u32 s7, s12;
	s15 =	sor.u32 $0x10, s12  }
0x12: {  	s8 =	sor.u32 $0x1C00, s12;
	s9 =	sadd.s32 $0x800, s9;
	s0 =	sand.u32 $0x60, s0  }
0x13: {  	v1 =	vlaneseq.u32;
	s10 =	smax.u32 s11, $0x1;
	s18 =	sadd.s32 $0x1800, s6;
	s11 =	sor.u32 $0x10, s0  }
0x14: {  	s12 =	sor.u32 $0xC90, s0;
	s0 =	simm.s32 $0x1;
	v0 =	vor.u32 s24, v1;
	v1 =	vor.u32 s15, v1;
	s15 =	simm.s32 $0x4500  }
.LBB2_1:
0x15: {  	[tilespmem:s3], [sflag:$0x3] =	stream.strided.gather [hbm4b:s4+s13], $0x1800, s14, s13, $0x38;
	[tilespmem:$0x4580] =	vst v63  }
0x16: {  	s19 =	simm.s32 $0x1800  }
0x17: {  	[tilespmem:s19], [sflag:$0x3] =	stream.linear.gather [hbm4b:s5+s3], $0x100, $0x38;
	[tilespmem:$0x4580] =	vst v63  }
0x18: {  	_ =	swait.ge [sflag:s16], $0x1900  }
0x19: {  	[sflag:s16] =	ssyncset.done $0x0  }
0x1a: {  	s23 =	simm.s32 $0x1C00;
	[sflag:s16] =	ssyncadd.s32 $0xFFFFE700  }
0x1b: {  	[tilespmem:s23], [sflag:$0x3] =	stream.strided.gather [hbm4b:s6+s13], $0x1800, s14, s13, $0x38;
	[tilespmem:$0x4580] =	vst v63  }
0x1c: {  	s24 =	simm.s32 $0x3400  }
0x1d: {  	[tilespmem:s24], [sflag:$0x3] =	stream.linear.gather [hbm4b:s18+s3], $0x100, $0x38;
	[tilespmem:$0x4580] =	vst v63  }
0x1e: {  	_ =	swait.ge [sflag:s16], $0x1900  }
0x1f: {  	[sflag:s16] =	ssyncset.done $0x0  }
0x20: {  	[sflag:s16] =	ssyncadd.s32 $0xFFFFE700  }
0x21: {  	v2 =	vld [tilespmem:s11+$0xFFFFFFF0];
	_ =	sdelay $0x4  }
0x22: {  	v3 =	vshll.u32 v2, $0xA  }
0x23: {  	v2 =	vshll.u32 v2, $0x7;
	v3 =	vand.u32 $0xFFFFE000, v3  }
0x24: {  	v2 =	vand.u32 $0x380, v2;
	v3 =	vadd.s32 s3, v3  }
0x25: {  	v2 =	vor.u32 v2, v3  }
0x26: {  	s19 =	simm.s32 $0x3810;
	v2 =	vadd.s32 v0, v2  }
0x27: {  	[tilespmem:s19+$0xFFFFFFF0] =	vst v2  }
0x28: {  	v2 =	vld [tilespmem:s11+$0x0];
	_ =	sdelay $0x4  }
0x29: {  	v3 =	vshll.u32 v2, $0xA  }
0x2a: {  	s21 =	sadd.s32 $0x0, s7;
	v2 =	vshll.u32 v2, $0x7;
	v3 =	vand.u32 $0xFFFFE000, v3  }
0x2b: {  	v2 =	vand.u32 $0x380, v2;
	v3 =	vadd.s32 s21, v3  }
0x2c: {  	v2 =	vor.u32 v2, v3  }
0x2d: {  	v2 =	vor.u32 v1, v2  }
0x2e: {  	s22 =	sadd.s32 $0x80, s11;
	[tilespmem:s19+$0x0] =	vst v2  }
0x2f: {  	s23 =	simm.s32 $0x1F4000;
	s21 =	simm.s32 $0xFA000;
	v2 =	vld [tilespmem:s22+$0xFFFFFFF0]  }
.LBB2_2:
0x30: {  	p0 =	sne.s32 s23, $0x1770000;
	_ =	sdelay $0x3  }
0x31: {  	v3 =	vshll.u32 v2, $0xA  }
0x32: {  	v2 =	vshll.u32 v2, $0x7;
	v3 =	vand.u32 $0xFFFFE000, v3  }
0x33: {  	v2 =	vand.u32 $0x380, v2;
	v3 =	vadd.s32 s21, v3  }
0x34: {  	v2 =	vor.u32 v2, v3  }
0x35: {  	s19 =	sadd.s32 $0x20, s19;
	v2 =	vadd.s32 v0, v2  }
0x36: {  	[tilespmem:s19+$0xFFFFFFF0] =	vst v2  }
0x37: {  	v2 =	vld [tilespmem:s22+$0x0];
	_ =	sdelay $0x4  }
0x38: {  	v3 =	vshll.u32 v2, $0xA  }
0x39: {  	s24 =	sadd.s32 s7, s21;
	s21 =	smov.u32 s23;
	v2 =	vshll.u32 v2, $0x7;
	v3 =	vand.u32 $0xFFFFE000, v3  }
.Ltmp0:
0x3a: {  	v2 =	vand.u32 $0x380, v2;
	v3 =	vadd.s32 s24, v3;
	(pc) =	sbr.rel @p0 .LBB2_2-.Ltmp0, $4  }
0x3b: {  	v2 =	vor.u32 v2, v3  }
0x3c: {  	v2 =	vor.u32 v1, v2  }
0x3d: {  	s22 =	sadd.s32 $0x80, s22;
	[tilespmem:s19+$0x0] =	vst v2  }
0x3e: {  	s23 =	sadd.s32 $0xFA000, s23;
	v2 =	vld [tilespmem:s22+$0xFFFFFFF0]  }
0x3f: {  	_ =	sdelay $0x3  }
0x40: {  	v3 =	vshll.u32 v2, $0xA  }
0x41: {  	v2 =	vshll.u32 v2, $0x7;
	v3 =	vand.u32 $0xFFFFE000, v3  }
0x42: {  	v2 =	vand.u32 $0x380, v2;
	v3 =	vadd.s32 s21, v3  }
0x43: {  	v2 =	vor.u32 v2, v3  }
0x44: {  	s19 =	sadd.s32 $0x20, s19;
	v2 =	vadd.s32 v0, v2  }
0x45: {  	[tilespmem:s19+$0xFFFFFFF0] =	vst v2  }
0x46: {  	v2 =	vld [tilespmem:s22+$0x0];
	_ =	sdelay $0x4  }
0x47: {  	v3 =	vshll.u32 v2, $0xA  }
0x48: {  	s22 =	sadd.s32 s7, s21;
	v2 =	vshll.u32 v2, $0x7;
	v3 =	vand.u32 $0xFFFFE000, v3  }
0x49: {  	v2 =	vand.u32 $0x380, v2;
	v3 =	vadd.s32 s22, v3  }
0x4a: {  	v2 =	vor.u32 v2, v3  }
0x4b: {  	v2 =	vor.u32 v1, v2  }
0x4c: {  	s23 =	simm.s32 $0x3800;
	s24 =	simm.s32 $0x3E80;
	[tilespmem:s19+$0x0] =	vst v2  }
0x4d: {  	[tilespmem:s24], [sflag:$0x1] =	stream.indirect.gather [hbm4b:s1+s20], $0x1, s23, s20, $0xb8;
	[tilespmem:$0x4580] =	vst v63  }
0x4e: {  	s21 =	simm.s32 $0x3850;
	s22 =	simm.s32 $0x3ED0  }
0x4f: {  	[tilespmem:s22], [sflag:$0x1] =	stream.indirect.gather [hbm4b:s1+s20], $0x1, s21, s20, $0xb8;
	[tilespmem:$0x4580] =	vst v63  }
0x50: {  	s23 =	simm.s32 $0x38A0;
	s24 =	simm.s32 $0x3F20  }
0x51: {  	[tilespmem:s24], [sflag:$0x1] =	stream.indirect.gather [hbm4b:s1+s20], $0x1, s23, s20, $0xb8;
	[tilespmem:$0x4580] =	vst v63  }
0x52: {  	s21 =	simm.s32 $0x38F0;
	s22 =	simm.s32 $0x3F70  }
0x53: {  	[tilespmem:s22], [sflag:$0x1] =	stream.indirect.gather [hbm4b:s1+s20], $0x1, s21, s20, $0xb8;
	[tilespmem:$0x4580] =	vst v63  }
0x54: {  	s23 =	simm.s32 $0x3940;
	s24 =	simm.s32 $0x3FC0  }
0x55: {  	[tilespmem:s24], [sflag:$0x1] =	stream.indirect.gather [hbm4b:s1+s20], $0x1, s23, s20, $0xb8;
	[tilespmem:$0x4580] =	vst v63  }
0x56: {  	s21 =	simm.s32 $0x3990;
	s22 =	simm.s32 $0x4010  }
0x57: {  	[tilespmem:s22], [sflag:$0x1] =	stream.indirect.gather [hbm4b:s1+s20], $0x1, s21, s20, $0xb8;
	[tilespmem:$0x4580] =	vst v63  }
0x58: {  	s23 =	simm.s32 $0x39E0;
	s24 =	simm.s32 $0x4060  }
0x59: {  	[tilespmem:s24], [sflag:$0x1] =	stream.indirect.gather [hbm4b:s1+s20], $0x1, s23, s20, $0xb8;
	[tilespmem:$0x4580] =	vst v63  }
0x5a: {  	s21 =	simm.s32 $0x3A30;
	s22 =	simm.s32 $0x40B0  }
0x5b: {  	[tilespmem:s22], [sflag:$0x1] =	stream.indirect.gather [hbm4b:s1+s20], $0x1, s21, s20, $0xb8;
	[tilespmem:$0x4580] =	vst v63  }
0x5c: {  	s23 =	simm.s32 $0x3A80;
	s24 =	simm.s32 $0x4100  }
0x5d: {  	[tilespmem:s24], [sflag:$0x1] =	stream.indirect.gather [hbm4b:s1+s20], $0x1, s23, s20, $0xb8;
	[tilespmem:$0x4580] =	vst v63  }
0x5e: {  	s21 =	simm.s32 $0x3AD0;
	s22 =	simm.s32 $0x4150  }
0x5f: {  	[tilespmem:s22], [sflag:$0x1] =	stream.indirect.gather [hbm4b:s1+s20], $0x1, s21, s20, $0xb8;
	[tilespmem:$0x4580] =	vst v63  }
0x60: {  	v2 =	vld [tilespmem:s12+$0xFFFFFFF0];
	_ =	sdelay $0x4  }
0x61: {  	v3 =	vshll.u32 v2, $0xA  }
0x62: {  	s23 =	simm.s32 $0x186A000;
	v2 =	vshll.u32 v2, $0x7;
	v3 =	vand.u32 $0xFFFFE000, v3  }
0x63: {  	v2 =	vand.u32 $0x380, v2;
	v3 =	vadd.s32 s23, v3  }
0x64: {  	v2 =	vor.u32 v2, v3  }
0x65: {  	s19 =	simm.s32 $0x3B30;
	v2 =	vadd.s32 v0, v2  }
0x66: {  	[tilespmem:s19+$0xFFFFFFF0] =	vst v2  }
0x67: {  	v2 =	vld [tilespmem:s12+$0x0];
	_ =	sdelay $0x4  }
0x68: {  	v3 =	vshll.u32 v2, $0xA  }
0x69: {  	s24 =	sadd.s32 $0x186A000, s7;
	v2 =	vshll.u32 v2, $0x7;
	v3 =	vand.u32 $0xFFFFE000, v3  }
0x6a: {  	v2 =	vand.u32 $0x380, v2;
	v3 =	vadd.s32 s24, v3  }
0x6b: {  	v2 =	vor.u32 v2, v3  }
0x6c: {  	v2 =	vor.u32 v1, v2  }
0x6d: {  	s22 =	sadd.s32 $0x80, s12;
	[tilespmem:s19+$0x0] =	vst v2  }
0x6e: {  	s21 =	simm.s32 $0x1964000;
	s23 =	simm.s32 $0x1A5E000;
	v2 =	vld [tilespmem:s22+$0xFFFFFFF0]  }
.LBB2_4:
0x6f: {  	p0 =	sne.s32 s23, $0x2FDA000;
	_ =	sdelay $0x3  }
0x70: {  	v3 =	vshll.u32 v2, $0xA  }
0x71: {  	v2 =	vshll.u32 v2, $0x7;
	v3 =	vand.u32 $0xFFFFE000, v3  }
0x72: {  	v2 =	vand.u32 $0x380, v2;
	v3 =	vadd.s32 s21, v3  }
0x73: {  	v2 =	vor.u32 v2, v3  }
0x74: {  	s19 =	sadd.s32 $0x20, s19;
	v2 =	vadd.s32 v0, v2  }
0x75: {  	[tilespmem:s19+$0xFFFFFFF0] =	vst v2  }
0x76: {  	v2 =	vld [tilespmem:s22+$0x0];
	_ =	sdelay $0x4  }
0x77: {  	v3 =	vshll.u32 v2, $0xA  }
0x78: {  	s24 =	sadd.s32 s7, s21;
	s21 =	smov.u32 s23;
	v2 =	vshll.u32 v2, $0x7;
	v3 =	vand.u32 $0xFFFFE000, v3  }
.Ltmp1:
0x79: {  	v2 =	vand.u32 $0x380, v2;
	v3 =	vadd.s32 s24, v3;
	(pc) =	sbr.rel @p0 .LBB2_4-.Ltmp1, $4  }
0x7a: {  	v2 =	vor.u32 v2, v3  }
0x7b: {  	v2 =	vor.u32 v1, v2  }
0x7c: {  	s22 =	sadd.s32 $0x80, s22;
	[tilespmem:s19+$0x0] =	vst v2  }
0x7d: {  	s23 =	sadd.s32 $0xFA000, s23;
	v2 =	vld [tilespmem:s22+$0xFFFFFFF0]  }
0x7e: {  	_ =	sdelay $0x3  }
0x7f: {  	v3 =	vshll.u32 v2, $0xA  }
0x80: {  	v2 =	vshll.u32 v2, $0x7;
	v3 =	vand.u32 $0xFFFFE000, v3  }
0x81: {  	v2 =	vand.u32 $0x380, v2;
	v3 =	vadd.s32 s21, v3  }
0x82: {  	v2 =	vor.u32 v2, v3  }
0x83: {  	s19 =	sadd.s32 $0x20, s19;
	v2 =	vadd.s32 v0, v2  }
0x84: {  	[tilespmem:s19+$0xFFFFFFF0] =	vst v2  }
0x85: {  	v2 =	vld [tilespmem:s22+$0x0];
	_ =	sdelay $0x4  }
0x86: {  	v3 =	vshll.u32 v2, $0xA  }
0x87: {  	s24 =	sadd.s32 s7, s21;
	v2 =	vshll.u32 v2, $0x7;
	v3 =	vand.u32 $0xFFFFE000, v3  }
0x88: {  	v2 =	vand.u32 $0x380, v2;
	v3 =	vadd.s32 s24, v3  }
0x89: {  	v2 =	vor.u32 v2, v3  }
0x8a: {  	v2 =	vor.u32 v1, v2  }
0x8b: {  	s21 =	simm.s32 $0x3B20;
	s22 =	simm.s32 $0x41A0;
	[tilespmem:s19+$0x0] =	vst v2  }
0x8c: {  	[tilespmem:s22], [sflag:$0x2] =	stream.indirect.gather [hbm4b:s1+s20], $0x1, s21, s20, $0xb8;
	[tilespmem:$0x4580] =	vst v63  }
0x8d: {  	s23 =	simm.s32 $0x3B70;
	s24 =	simm.s32 $0x41F0  }
0x8e: {  	[tilespmem:s24], [sflag:$0x2] =	stream.indirect.gather [hbm4b:s1+s20], $0x1, s23, s20, $0xb8;
	[tilespmem:$0x4580] =	vst v63  }
0x8f: {  	s21 =	simm.s32 $0x3BC0;
	s22 =	simm.s32 $0x4240  }
0x90: {  	[tilespmem:s22], [sflag:$0x2] =	stream.indirect.gather [hbm4b:s1+s20], $0x1, s21, s20, $0xb8;
	[tilespmem:$0x4580] =	vst v63  }
0x91: {  	s23 =	simm.s32 $0x3C10;
	s24 =	simm.s32 $0x4290  }
0x92: {  	[tilespmem:s24], [sflag:$0x2] =	stream.indirect.gather [hbm4b:s1+s20], $0x1, s23, s20, $0xb8;
	[tilespmem:$0x4580] =	vst v63  }
0x93: {  	s21 =	simm.s32 $0x3C60;
	s22 =	simm.s32 $0x42E0  }
0x94: {  	[tilespmem:s22], [sflag:$0x2] =	stream.indirect.gather [hbm4b:s1+s20], $0x1, s21, s20, $0xb8;
	[tilespmem:$0x4580] =	vst v63  }
0x95: {  	s23 =	simm.s32 $0x3CB0;
	s24 =	simm.s32 $0x4330  }
0x96: {  	[tilespmem:s24], [sflag:$0x2] =	stream.indirect.gather [hbm4b:s1+s20], $0x1, s23, s20, $0xb8;
	[tilespmem:$0x4580] =	vst v63  }
0x97: {  	s22 =	simm.s32 $0x3D00;
	s23 =	simm.s32 $0x4380  }
0x98: {  	[tilespmem:s23], [sflag:$0x2] =	stream.indirect.gather [hbm4b:s1+s20], $0x1, s22, s20, $0xb8;
	[tilespmem:$0x4580] =	vst v63  }
0x99: {  	_ = 	snop  }
0x9a: {  	[tilespmem:s26], [sflag:$0x2] =	stream.indirect.gather [hbm4b:s1+s20], $0x1, s25, s20, $0xb8;
	[tilespmem:$0x4580] =	vst v63  }
0x9b: {  	_ = 	snop  }
0x9c: {  	[tilespmem:s29], [sflag:$0x2] =	stream.indirect.gather [hbm4b:s1+s20], $0x1, s28, s20, $0xb8;
	[tilespmem:$0x4580] =	vst v63  }
0x9d: {  	_ = 	snop  }
0x9e: {  	[tilespmem:s31], [sflag:$0x2] =	stream.indirect.gather [hbm4b:s1+s20], $0x1, s30, s20, $0xb8;
	[tilespmem:$0x4580] =	vst v63  }
0x9f: {  	_ =	swait.ge [sflag:s0], $0x50  }
0xa0: {  	[sflag:s0] =	ssyncset.done $0x0  }
0xa1: {  	[sflag:s0] =	ssyncadd.s32 $0xFFFFFFB0  }
0xa2: {  	_ =	swait.ge [sflag:s0], $0x50  }
0xa3: {  	[sflag:s0] =	ssyncset.done $0x0  }
0xa4: {  	[sflag:s0] =	ssyncadd.s32 $0xFFFFFFB0  }
0xa5: {  	_ =	swait.ge [sflag:s0], $0x50  }
0xa6: {  	[sflag:s0] =	ssyncset.done $0x0  }
0xa7: {  	[sflag:s0] =	ssyncadd.s32 $0xFFFFFFB0  }
0xa8: {  	_ =	swait.ge [sflag:s0], $0x50  }
0xa9: {  	[sflag:s0] =	ssyncset.done $0x0  }
0xaa: {  	[sflag:s0] =	ssyncadd.s32 $0xFFFFFFB0  }
0xab: {  	_ =	swait.ge [sflag:s0], $0x50  }
0xac: {  	[sflag:s0] =	ssyncset.done $0x0  }
0xad: {  	[sflag:s0] =	ssyncadd.s32 $0xFFFFFFB0  }
0xae: {  	_ =	swait.ge [sflag:s0], $0x50  }
0xaf: {  	[sflag:s0] =	ssyncset.done $0x0  }
0xb0: {  	[sflag:s0] =	ssyncadd.s32 $0xFFFFFFB0  }
0xb1: {  	_ =	swait.ge [sflag:s0], $0x50  }
0xb2: {  	[sflag:s0] =	ssyncset.done $0x0  }
0xb3: {  	[sflag:s0] =	ssyncadd.s32 $0xFFFFFFB0  }
0xb4: {  	_ =	swait.ge [sflag:s0], $0x50  }
0xb5: {  	[sflag:s0] =	ssyncset.done $0x0  }
0xb6: {  	[sflag:s0] =	ssyncadd.s32 $0xFFFFFFB0  }
0xb7: {  	_ =	swait.ge [sflag:s0], $0x50  }
0xb8: {  	[sflag:s0] =	ssyncset.done $0x0  }
0xb9: {  	s21 =	simm.s32 $0x0;
	[sflag:s0] =	ssyncadd.s32 $0xFFFFFFB0  }
0xba: {  	s24 =	sand.u32 $0x3E00, s21;
	_ =	swait.ge [sflag:s0], $0x50  }
0xbb: {  	s19 =	simm.s32 $0x3E80;
	s22 =	sshrl.u32 s24, $0x2;
	[sflag:s0] =	ssyncset.done $0x0  }
0xbc: {  	s23 =	sand.u32 $0x10, s21;
	s22 =	sadd.s32 s22, s8;
	[sflag:s0] =	ssyncadd.s32 $0xFFFFFFB0  }
0xbd: {  	s23 =	sadd.s32 s23, s22;
	v3 =	vld [tilespmem:s19+$0x0]  }
0xbe: {  	v4 =	vld [tilespmem:s23+$0x0]  }
0xbf: {  	v2 =	vimm.f32 $0.0e+00;
	s22 =	simm.s32 $0x100  }
.LBB2_6:
0xc0: {  	s23 =	sand.u32 $0x3E00, s22;
	p0 =	seq.s32 s22, $0x3100;
	s22 =	sadd.s32 $0x100, s22  }
.Ltmp2:
0xc1: {  	s21 =	sadd.s32 $0x10, s21;
	s23 =	sshrl.u32 s23, $0x2;
	(pc) =	sbr.rel @!p0 .LBB2_6-.Ltmp2, $4  }
0xc2: {  	s19 =	sadd.s32 $0x10, s19;
	s24 =	sand.u32 $0x10, s21;
	s23 =	sadd.s32 s23, s8  }
0xc3: {  	s23 =	sadd.s32 s24, s23;
	v5 =	vmul.f32 v3, v4;
	v3 =	vld [tilespmem:s19+$0x0]  }
0xc4: {  	v4 =	vld [tilespmem:s23+$0x0]  }
0xc5: {  	v2 =	vadd.f32 v5, v2  }
0xc6: {  	_ =	swait.ge [sflag:s2], $0x50  }
0xc7: {  	[sflag:s2] =	ssyncset.done $0x0  }
0xc8: {  	[sflag:s2] =	ssyncadd.s32 $0xFFFFFFB0  }
0xc9: {  	_ =	swait.ge [sflag:s2], $0x50  }
0xca: {  	[sflag:s2] =	ssyncset.done $0x0  }
0xcb: {  	[sflag:s2] =	ssyncadd.s32 $0xFFFFFFB0  }
0xcc: {  	_ =	swait.ge [sflag:s2], $0x50  }
0xcd: {  	[sflag:s2] =	ssyncset.done $0x0  }
0xce: {  	[sflag:s2] =	ssyncadd.s32 $0xFFFFFFB0  }
0xcf: {  	_ =	swait.ge [sflag:s2], $0x50  }
0xd0: {  	[sflag:s2] =	ssyncset.done $0x0  }
0xd1: {  	[sflag:s2] =	ssyncadd.s32 $0xFFFFFFB0  }
0xd2: {  	_ =	swait.ge [sflag:s2], $0x50  }
0xd3: {  	[sflag:s2] =	ssyncset.done $0x0  }
0xd4: {  	[sflag:s2] =	ssyncadd.s32 $0xFFFFFFB0  }
0xd5: {  	_ =	swait.ge [sflag:s2], $0x50  }
0xd6: {  	[sflag:s2] =	ssyncset.done $0x0  }
0xd7: {  	[sflag:s2] =	ssyncadd.s32 $0xFFFFFFB0  }
0xd8: {  	_ =	swait.ge [sflag:s2], $0x50  }
0xd9: {  	[sflag:s2] =	ssyncset.done $0x0  }
0xda: {  	[sflag:s2] =	ssyncadd.s32 $0xFFFFFFB0  }
0xdb: {  	_ =	swait.ge [sflag:s2], $0x50  }
0xdc: {  	[sflag:s2] =	ssyncset.done $0x0  }
0xdd: {  	[sflag:s2] =	ssyncadd.s32 $0xFFFFFFB0  }
0xde: {  	_ =	swait.ge [sflag:s2], $0x50  }
0xdf: {  	[sflag:s2] =	ssyncset.done $0x0  }
0xe0: {  	s22 =	simm.s32 $0x3200;
	[sflag:s2] =	ssyncadd.s32 $0xFFFFFFB0  }
0xe1: {  	s19 =	simm.s32 $0x41A0;
	s22 =	sand.u32 $0x7E00, s22;
	_ =	swait.ge [sflag:s2], $0x50  }
0xe2: {  	s21 =	simm.s32 $0x320;
	s22 =	sshrl.u32 s22, $0x2;
	v3 =	vmul.f32 v3, v4;
	[sflag:s2] =	ssyncset.done $0x0  }
0xe3: {  	s23 =	sand.u32 $0x10, s21;
	s22 =	sadd.s32 s22, s8;
	[sflag:s2] =	ssyncadd.s32 $0xFFFFFFB0  }
0xe4: {  	s23 =	sadd.s32 s23, s22;
	v2 =	vadd.f32 v3, v2;
	v3 =	vld [tilespmem:s19+$0x0]  }
0xe5: {  	v4 =	vld [tilespmem:s23+$0x0]  }
0xe6: {  	s22 =	simm.s32 $0x3300  }
.LBB2_8:
0xe7: {  	s23 =	sand.u32 $0x7E00, s22;
	p0 =	sne.s32 s22, $0x6300;
	s22 =	sadd.s32 $0x100, s22  }
.Ltmp3:
0xe8: {  	s21 =	sadd.s32 $0x10, s21;
	s23 =	sshrl.u32 s23, $0x2;
	(pc) =	sbr.rel @p0 .LBB2_8-.Ltmp3, $4  }
0xe9: {  	s19 =	sadd.s32 $0x10, s19;
	s24 =	sand.u32 $0x10, s21;
	s23 =	sadd.s32 s23, s8  }
0xea: {  	s23 =	sadd.s32 s24, s23;
	v5 =	vmul.f32 v3, v4;
	v3 =	vld [tilespmem:s19+$0x0]  }
0xeb: {  	v4 =	vld [tilespmem:s23+$0x0]  }
0xec: {  	v2 =	vadd.f32 v5, v2  }
0xed: {  	_ =	sdelay $0x2  }
0xee: {  	v3 =	vmul.f32 v3, v4;
	_ =	sdelay $0x1  }
0xef: {  	s17 =	sadd.s32 $0x1, s17;
	v2 =	vadd.f32 v3, v2  }
0xf0: {  	p0 =	sne.s32 s17, s10  }
.Ltmp4:
0xf1: {  	[tilespmem:$0x4500] =	vst v2;
	(pc) =	sbr.rel @p0 .LBB2_1-.Ltmp4, $4  }
0xf2: {  	[hbm4b:s9+s3] =	stream.linear.scatter [tilespmem:s15], [sflag:$0x3], $0x80, $0x38;
	[tilespmem:$0x4580] =	vst v63  }
0xf3: {  	_ =	swait.ge [sflag:s16], $0x80  }
0xf4: {  	[sflag:s16] =	ssyncset.done $0x0  }
0xf5: {  	[sflag:s16] =	ssyncadd.s32 $0xFFFFFF80  }
0xf6: {  	_ =	sfence.sel $0x180000  }
0xf7: {  	[bflag:$0x0] =	sbarrier.arrive $0xFFFF  }
0xf8: {  	_ =	strace $0x90000047  }
0xf9: {  	s0 =	stileid.u32;
	[bflag:$0x2] =	sbarrier.arrive $0xFFFF  }
0xfa: {  	p0 =	sne.s32 s0, $0x0;
	s0 =	rddreg [dreg:$0x4]  }
0xfb: {  	s0 =	sadd.s32 @!p0 $0x100000, s0  }
0xfc: {  	[sflag:s0] =	ssyncadd.tile.s32 @!p0 $0x1;
	_ =	shalt  }
.Lfunc_end2:
_tile_overlayer_lowered:
.L_overlay_start_2:
0xfd: {  	(tag) =	ssettag $0x2  }
0xfe: {  	s0 =	rddreg [dreg:$0x0];
	s2 =	stileid.u32  }
0xff: {  	s1 =	rddreg [dreg:$0x1];
	p0 =	sne.s32 s2, $0x0  }
0x100: {  	s3 =	rddreg [dreg:$0x2];
	[bflag:$0x3] =	sbarrier.arrive $0xFFFF;
	s2 =	simm.s32 @!p0 $0x1C03  }
0x101: {  	[timem:s3], [sflag:s2] =	dma.local @!p0 [hbm:s0], s1  }
0x102: {  	s0 =	simm.s32 @!p0 $0x3  }
0x103: {  	_ =	swait.ge @!p0 [sflag:s0], s1  }
0x104: {  	s1 =	ssub.s32 @!p0 $0x0, s1;
	[sflag:s0] =	ssyncset.done @!p0 $0x0  }
0x105: {  	[sflag:s0] =	ssyncadd.s32 @!p0 s1  }
0x106: {  	[bflag:$0x3] =	sbarrier.arrive $0xFFFF  }
0x107: {  	_ =	shalt  }

</sc_bundles>
